<compile_context>
chip_gen: v7x
topology: tpu7x:2x2x1
jax: 0.10.2.dev20260603
libtpu: 0.0.44.dev20260713+nightly
codegen_flags: <defaults>
</compile_context>

<pallas_src>
import functools

import jax
import jax.numpy as jnp
import numpy as np
from jax import lax
from jax.experimental import pallas as pl
from jax.experimental.pallas import tpu as pltpu
from jax.experimental.pallas import tpu_sc as plsc

N = 10000
E = 320000
D = 128
H = 128
S = 8
O = 64

NC = 2
NS = 16
NP = 10112
RPT = NP // NS
CHUNK = 128
EPT = E // NS
NCH = 158
NPAIR = NCH // 2
EPT_PAD = NCH * CHUNK
RB = 400


def _hippo_constants():
    order, dt = O, 1.0 / 512.0
    Q = np.arange(order, dtype=np.float64)
    R = np.sqrt(2.0 * Q + 1.0)
    i, j = np.meshgrid(Q, Q, indexing='ij')
    A = np.where(i < j, (-1.0) ** (i - j), 1.0) * R[:, None] * R[None, :]
    A = -A
    B = R[:, None]
    I = np.eye(order)
    Ad = np.linalg.solve(I - dt / 2.0 * A, I + dt / 2.0 * A)
    Bd = np.linalg.solve(I - dt / 2.0 * A, dt * B)[:, 0]
    return jnp.asarray(Ad, jnp.float32), jnp.asarray(Bd, jnp.float32)



def _a_body(x_r, h_r, m_r, px_r, ph_r, pm_r, c_r, y1_r, sg_r, sc_r):
    acc = jnp.dot(x_r[...], px_r[...], preferred_element_type=jnp.float32)
    acc = acc + jnp.dot(h_r[...], ph_r[...], preferred_element_type=jnp.float32)
    acc = acc + jnp.dot(m_r[...], pm_r[...], preferred_element_type=jnp.float32)
    acc = acc + c_r[...]
    for k in range(4):
        y1_r[k] = acc[:, 96 * k:96 * (k + 1)]
    sg_r[...] = acc[:, 384:640]
    sc_r[...] = acc[:, 640:768]


def _mm_a(x, h, m2, Px, Ph, Pm, cv):
    K = 768
    return pl.pallas_call(
        _a_body,
        grid=(N // RB,),
        in_specs=[
            pl.BlockSpec((RB, D), lambda i: (i, 0)),
            pl.BlockSpec((RB, H), lambda i: (i, 0)),
            pl.BlockSpec((RB, S * O), lambda i: (i, 0)),
            pl.BlockSpec((D, K), lambda i: (0, 0)),
            pl.BlockSpec((H, K), lambda i: (0, 0)),
            pl.BlockSpec((S * O, K), lambda i: (0, 0)),
            pl.BlockSpec((1, K), lambda i: (0, 0)),
        ],
        out_specs=(pl.BlockSpec((4, RB, 96), lambda i: (0, i, 0)),
                   pl.BlockSpec((RB, 2 * H), lambda i: (i, 0)),
                   pl.BlockSpec((RB, H), lambda i: (i, 0))),
        out_shape=(jax.ShapeDtypeStruct((4, N, 96), jnp.float32),
                   jax.ShapeDtypeStruct((N, 2 * H), jnp.float32),
                   jax.ShapeDtypeStruct((N, H), jnp.float32)),
    )(x, h, m2, Px, Ph, Pm, cv.reshape(1, K))



def _b_body(sg_r, agg1_r, deg_r, h_r, scxm_r, w2_r, y2_r, prec_r, z_r):
    invd = 1.0 / jnp.maximum(deg_r[...], 1.0)
    acat = jnp.concatenate([agg1_r[k] for k in range(4)], axis=1)
    g = jax.nn.sigmoid(sg_r[...] + acat[:, :2 * H] * invd)
    z = g[:, :H]
    r = g[:, H:]
    rh = r * h_r[...]
    y2w = jnp.dot(rh, w2_r[...], preferred_element_type=jnp.float32)
    y2_r[0] = y2w[:, :64]
    y2_r[1] = y2w[:, 64:H]
    prec_r[...] = scxm_r[...] + y2w[:, H:] + acat[:, 2 * H:] * invd
    z_r[...] = z


def _mm_b(sg, agg1, deg, h, scxm, W2):
    outs = (jax.ShapeDtypeStruct((2, N, 64), jnp.float32),
            jax.ShapeDtypeStruct((N, H), jnp.float32),
            jax.ShapeDtypeStruct((N, H), jnp.float32))
    return pl.pallas_call(
        _b_body,
        grid=(N // RB,),
        in_specs=[
            pl.BlockSpec((RB, 2 * H), lambda i: (i, 0)),
            pl.BlockSpec((4, RB, 96), lambda i: (0, i, 0)),
            pl.BlockSpec((RB, 1), lambda i: (i, 0)),
            pl.BlockSpec((RB, H), lambda i: (i, 0)),
            pl.BlockSpec((RB, H), lambda i: (i, 0)),
            pl.BlockSpec((H, 2 * H), lambda i: (0, 0)),
        ],
        out_specs=(pl.BlockSpec((2, RB, 64), lambda i: (0, i, 0)),
                   pl.BlockSpec((RB, H), lambda i: (i, 0)),
                   pl.BlockSpec((RB, H), lambda i: (i, 0))),
        out_shape=outs,
    )(sg, agg1, deg, h, scxm, W2)



def _c_body(z_r, prec_r, agg2_r, deg_r, h_r, o_r):
    invd = 1.0 / jnp.maximum(deg_r[...], 1.0)
    acat = jnp.concatenate([agg2_r[0], agg2_r[1]], axis=1)
    c = jnp.tanh(prec_r[...] + acat * invd)
    z = z_r[...]
    o_r[...] = (1.0 - z) * h_r[...] + z * c


def _mm_c(z, prec, agg2, deg, h):
    return pl.pallas_call(
        _c_body,
        grid=(N // RB,),
        in_specs=[
            pl.BlockSpec((RB, H), lambda i: (i, 0)),
            pl.BlockSpec((RB, H), lambda i: (i, 0)),
            pl.BlockSpec((2, RB, 64), lambda i: (0, i, 0)),
            pl.BlockSpec((RB, 1), lambda i: (i, 0)),
            pl.BlockSpec((RB, H), lambda i: (i, 0)),
        ],
        out_specs=pl.BlockSpec((RB, H), lambda i: (i, 0)),
        out_shape=jax.ShapeDtypeStruct((N, H), jnp.float32),
    )(z, prec, agg2, deg, h)



@functools.cache
def _make_sc_segsum(width, ngroups, with_deg):
    mesh = plsc.VectorSubcoreMesh(core_axis_name="c", subcore_axis_name="s",
                                  num_cores=NC, num_subcores=NS)
    out_type = [jax.ShapeDtypeStruct((NC * ngroups, NP, width), jnp.float32)]
    if with_deg:
        out_type.append(jax.ShapeDtypeStruct((NP,), jnp.float32))
    scratch = [
        pltpu.VMEM((NCH, CHUNK), jnp.int32),
        pltpu.VMEM((NCH, CHUNK), jnp.int32),
        pltpu.VMEM((CHUNK, width), jnp.float32),
        pltpu.VMEM((CHUNK, width), jnp.float32),
        pltpu.VMEM_SHARED((NP, width), jnp.float32),
        pltpu.SemaphoreType.DMA,
        pltpu.SemaphoreType.DMA,
    ]
    if with_deg:
        scratch += [
            pltpu.VMEM((CHUNK,), jnp.float32),
            pltpu.VMEM_SHARED((NP,), jnp.float32),
        ]

    def body(*refs):
        if with_deg:
            (tab, srci, dsti, z2, z1, ones_h, agg_o, deg_o,
             src_v, dst_v, rows0, rows1, acc, sem0, sem1,
             ones_v, dacc) = refs
        else:
            (tab, srci, dsti, z2, agg_o,
             src_v, dst_v, rows0, rows1, acc, sem0, sem1) = refs
        c = lax.axis_index("c")
        s = lax.axis_index("s")
        base = s * RPT

        pltpu.sync_copy(srci.at[s], src_v)
        pltpu.sync_copy(dsti.at[s], dst_v)
        if with_deg:
            @pl.when(c == 0)
            def _():
                pltpu.sync_copy(ones_h, ones_v)

            @pl.when((c == 0) & (s == 0))
            def _():
                pltpu.sync_copy(z1, dacc)

        for g in range(ngroups):
            q = c * ngroups + g
            pltpu.async_copy(tab.at[q].at[src_v.at[0]], rows0, sem0)
            pltpu.sync_copy(z2.at[pl.ds(base, RPT)], acc.at[pl.ds(base, RPT)])
            plsc.subcore_barrier()

            deg_now = with_deg and g == 0

            def pair(t, carry):
                j0 = 2 * t
                pltpu.make_async_copy(tab.at[q].at[src_v.at[j0]], rows0,
                                      sem0).wait()
                pltpu.async_copy(tab.at[q].at[src_v.at[j0 + 1]], rows1, sem1)
                pltpu.sync_copy(rows0, acc.at[dst_v.at[j0]], add=True)
                if deg_now:
                    @pl.when(c == 0)
                    def _():
                        pltpu.sync_copy(ones_v, dacc.at[dst_v.at[j0]],
                                        add=True)
                pltpu.make_async_copy(tab.at[q].at[src_v.at[j0 + 1]], rows1,
                                      sem1).wait()

                @pl.when(t + 1 < NPAIR)
                def _():
                    pltpu.async_copy(tab.at[q].at[src_v.at[j0 + 2]], rows0,
                                     sem0)
                pltpu.sync_copy(rows1, acc.at[dst_v.at[j0 + 1]], add=True)
                if deg_now:
                    @pl.when(c == 0)
                    def _():
                        pltpu.sync_copy(ones_v, dacc.at[dst_v.at[j0 + 1]],
                                        add=True)
                return carry

            lax.fori_loop(0, NPAIR, pair, 0)
            plsc.subcore_barrier()

            pltpu.sync_copy(acc.at[pl.ds(base, RPT)],
                            agg_o.at[q].at[pl.ds(base, RPT)])
            if deg_now:
                @pl.when((c == 0) & (s == 0))
                def _():
                    pltpu.sync_copy(dacc, deg_o)

    return functools.partial(
        pl.kernel, mesh=mesh,
        out_type=tuple(out_type) if len(out_type) > 1 else out_type[0],
        compiler_params=pltpu.CompilerParams(use_tc_tiling_on_sc=False),
        scratch_types=scratch)(body)



def _fold(W, Ad, Bd):
    K = W.shape[1]
    Wb = W.reshape(S, O, K)
    Wm = jnp.einsum('po,spk->sok', Ad, Wb).reshape(S * O, K)
    Wu = jnp.einsum('p,spk->sk', Bd, Wb)
    return Wm, Wu


def kernel(x, h, m, edge_index, W_uxh, b_uxh, Wg_self, Wg_neigh, bg,
           Wc_self, Wc_neigh, bc):
    Ad, Bd = _hippo_constants()
    Wux, Wuh = W_uxh[:D], W_uxh[D:]

    def gate_cols(Wg, bias):
        Wm, Wu = _fold(Wg[D:], Ad, Bd)
        return (Wg[:D] + Wux @ Wu, Wuh @ Wu, Wm, b_uxh @ Wu + bias)

    def cand_xm_cols(Wc, bias):
        Wm, Wu = _fold(Wc[D + H:], Ad, Bd)
        return (Wc[:D] + Wux @ Wu, Wuh @ Wu, Wm, b_uxh @ Wu + bias)

    cols = [gate_cols(Wg_neigh, jnp.zeros((2 * H,), jnp.float32)),
            cand_xm_cols(Wc_neigh, jnp.zeros((H,), jnp.float32)),
            gate_cols(Wg_self, bg),
            cand_xm_cols(Wc_self, bc)]
    Px = jnp.concatenate([cc[0] for cc in cols], axis=1)
    Ph = jnp.concatenate([cc[1] for cc in cols], axis=1)
    Pm = jnp.concatenate([cc[2] for cc in cols], axis=1)
    cv = jnp.concatenate([cc[3] for cc in cols])
    W2 = jnp.concatenate([Wc_neigh[D:D + H], Wc_self[D:D + H]], axis=1)

    m2 = m.reshape(N, S * O)
    y1s, sg, scxm = _mm_a(x, h, m2, Px, Ph, Pm, cv)

    src = edge_index[0].reshape(NS, EPT)
    dst = edge_index[1].reshape(NS, EPT)
    srcT = jnp.pad(src, ((0, 0), (0, EPT_PAD - EPT))).reshape(NS, NCH, CHUNK)
    dstT = jnp.pad(dst, ((0, 0), (0, EPT_PAD - EPT)),
                   constant_values=N).reshape(NS, NCH, CHUNK)

    zeros2 = jnp.zeros((NP, 96), jnp.float32)
    zeros1 = jnp.zeros((NP,), jnp.float32)
    ones_c = jnp.ones((CHUNK,), jnp.float32)
    agg1, deg = _make_sc_segsum(96, 2, True)(y1s, srcT, dstT, zeros2, zeros1,
                                             ones_c)
    degc = deg[:N, None]

    y2s, prec, z = _mm_b(sg, agg1, degc, h, scxm, W2)

    zeros2b = jnp.zeros((NP, 64), jnp.float32)
    agg2 = _make_sc_segsum(64, 1, False)(y2s, srcT, dstT, zeros2b)

    return _mm_c(z, prec, agg2, degc, h)

# --- scband reference (transcript-rebuilt; emitter-appended) ---
"""Pipeline reference for scband-gconv-memory-grucell-neighbor-sampling-13494787244273 (READ-ONLY COPY).

The authoritative reference and input builder live on the scoring server;
editing this copy changes nothing except your own understanding.
"""

import jax, jax.numpy as jnp
import numpy as np

N = 10000
E = 320000
D_IN = 128
H = 128
S = 8
O = 64


def _hippo_legt(order, dt):
    Q = np.arange(order, dtype=np.float64)
    R = np.sqrt(2.0 * Q + 1.0)
    i, j = np.meshgrid(Q, Q, indexing='ij')
    A = np.where(i < j, (-1.0) ** (i - j), 1.0) * R[:, None] * R[None, :]
    A = -A
    B = R[:, None]
    I = np.eye(order)
    Ad = np.linalg.solve(I - dt / 2.0 * A, I + dt / 2.0 * A)
    Bd = np.linalg.solve(I - dt / 2.0 * A, dt * B)[:, 0]
    return jnp.asarray(Ad, jnp.float32), jnp.asarray(Bd, jnp.float32)


def setup_inputs(seed: int = 0) -> dict:
    key = jax.random.key(seed)
    ks = jax.random.split(key, 12)
    gate_in = D_IN + S * O
    cand_in = D_IN + H + S * O
    inp = {}
    inp['x'] = jax.random.normal(ks[0], (N, D_IN), jnp.float32)
    inp['h'] = jax.random.normal(ks[1], (N, H), jnp.float32)
    inp['m'] = jax.random.normal(ks[2], (N, S, O), jnp.float32) * 0.1
    inp['edge_index'] = jax.random.randint(ks[3], (2, E), 0, N, dtype=jnp.int32)
    inp['W_uxh'] = jax.random.normal(ks[4], (D_IN + H, S), jnp.float32) / np.sqrt(D_IN + H)
    inp['b_uxh'] = jnp.zeros((S,), jnp.float32)
    inp['Wg_self'] = jax.random.normal(ks[5], (gate_in, 2 * H), jnp.float32) / np.sqrt(gate_in)
    inp['Wg_neigh'] = jax.random.normal(ks[6], (gate_in, 2 * H), jnp.float32) / np.sqrt(gate_in)
    inp['bg'] = jnp.zeros((2 * H,), jnp.float32)
    inp['Wc_self'] = jax.random.normal(ks[7], (cand_in, H), jnp.float32) / np.sqrt(cand_in)
    inp['Wc_neigh'] = jax.random.normal(ks[8], (cand_in, H), jnp.float32) / np.sqrt(cand_in)
    inp['bc'] = jnp.zeros((H,), jnp.float32)
    return inp


def reference(x, h, m, edge_index, W_uxh, b_uxh, Wg_self, Wg_neigh, bg, Wc_self, Wc_neigh, bc):
    n = x.shape[0]
    Ad, Bd = _hippo_legt(O, 1.0 / 512.0)
    # memory update: u = W_uxh([x, h]) (memory_activation == 'id')
    u = jnp.concatenate([x, h], axis=-1) @ W_uxh + b_uxh  # [N, S]
    m_new = jnp.einsum('nso,po->nsp', m, Ad) + u[:, :, None] * Bd[None, None, :]
    m_flat = m_new.reshape(n, S * O)
    src = edge_index[0]
    dst = edge_index[1]
    deg = jax.ops.segment_sum(jnp.ones((src.shape[0],), jnp.float32), dst, num_segments=n)
    deg = jnp.clip(deg, 1.0)[:, None]

    def sage(feat, Ws, Wn, b):
        agg = jax.ops.segment_sum(feat[src], dst, num_segments=n) / deg
        return feat @ Ws + agg @ Wn + b

    gate_in = jnp.concatenate([x, m_flat], axis=-1)
    g = jax.nn.sigmoid(sage(gate_in, Wg_self, Wg_neigh, bg))
    z, r = g[:, :H], g[:, H:]
    cand_in = jnp.concatenate([x, r * h, m_flat], axis=-1)
    c = jnp.tanh(sage(cand_in, Wc_self, Wc_neigh, bc))
    h_new = (1.0 - z) * h + z * c
    return h_new

if __name__ == "__main__":
    import jax
    _d = setup_inputs()
    print(jax.jit(kernel)(*tuple(_d.values())))

</pallas_src>

<mosaic_0001>
#map = affine_map<(d0, d1) -> (0, 0, 0)>
#map1 = affine_map<(d0, d1) -> (0, 0)>
module attributes {stable_mosaic.version = 14 : i64} {
  func.func @body(%arg0: i32, %arg1: i32, %arg2: memref<2x10000x64xf32, #tpu.memory_space<hbm>>, %arg3: memref<16x158x128xi32, #tpu.memory_space<hbm>>, %arg4: memref<16x158x128xi32, #tpu.memory_space<hbm>>, %arg5: memref<10112x64xf32, #tpu.memory_space<hbm>>, %arg6: memref<2x10112x64xf32, #tpu.memory_space<hbm>>, %arg7: memref<158x128xi32, #tpu.memory_space<vmem>>, %arg8: memref<158x128xi32, #tpu.memory_space<vmem>>, %arg9: memref<128x64xf32, #tpu.memory_space<vmem>>, %arg10: memref<128x64xf32, #tpu.memory_space<vmem>>, %arg11: memref<10112x64xf32, #tpu.memory_space<vmem_shared>>, %arg12: memref<!tpu.dma_semaphore, #tpu.memory_space<semaphore_mem>>, %arg13: memref<!tpu.dma_semaphore, #tpu.memory_space<semaphore_mem>>) attributes {dimension_semantics = [#tpu.dimension_semantics<core_parallel>, #tpu.dimension_semantics<subcore_parallel>], iteration_bounds = array<i64: 2, 16>, scalar_prefetch = 0 : i64, scratch_operands = 7 : i64, tpu.core_type = #tpu.core_type<sc_vector_subcore>, window_params = [{transform_indices = #map}, {transform_indices = #map}, {transform_indices = #map}, {transform_indices = #map1}, {transform_indices = #map}]} {
    %mul3A = arith.constant 632 : i32
    %mul3A_0 = arith.muli %arg1, %mul3A : i32
    "tpu.region"() ({
      %run_scoped3A = tpu.sem_alloc : memref<!tpu.dma_semaphore, #tpu.memory_space<semaphore_mem>>
      %dma_start3A_20 = arith.constant 0 : i32
      %dma_start3A_21 = arith.constant 0 : i32
      %dma_start3A_22 = tpu.memref_slice %arg3[%arg1, %dma_start3A_20, %dma_start3A_21] : memref<16x158x128xi32, #tpu.memory_space<hbm>> -> memref<1x158x128xi32, #tpu.memory_space<hbm>>
      %dma_start3A_23 = tpu.memref_squeeze %dma_start3A_22 : memref<1x158x128xi32, #tpu.memory_space<hbm>> -> memref<158x128xi32, #tpu.memory_space<hbm>>
      %dma_start3A_24 = arith.constant 0 : i32
      %dma_start3A_25 = arith.constant 0 : i32
      %dma_start3A_26 = tpu.memref_slice %arg3[%arg1, %dma_start3A_24, %dma_start3A_25] : memref<16x158x128xi32, #tpu.memory_space<hbm>> -> memref<1x158x128xi32, #tpu.memory_space<hbm>>
      %dma_start3A_27 = tpu.memref_squeeze %dma_start3A_26 : memref<1x158x128xi32, #tpu.memory_space<hbm>> -> memref<158x128xi32, #tpu.memory_space<hbm>>
      tpu.enqueue_dma source(%dma_start3A_27 : memref<158x128xi32, #tpu.memory_space<hbm>>) target(%arg7 : memref<158x128xi32, #tpu.memory_space<vmem>>) target_semaphore(%run_scoped3A : memref<!tpu.dma_semaphore, #tpu.memory_space<semaphore_mem>>)
      %dma_wait3A = arith.constant 0 : i32
      %dma_wait3A_28 = arith.constant 0 : i32
      %dma_wait3A_29 = tpu.memref_slice %arg3[%arg1, %dma_wait3A, %dma_wait3A_28] : memref<16x158x128xi32, #tpu.memory_space<hbm>> -> memref<1x158x128xi32, #tpu.memory_space<hbm>>
      %dma_wait3A_30 = tpu.memref_squeeze %dma_wait3A_29 : memref<1x158x128xi32, #tpu.memory_space<hbm>> -> memref<158x128xi32, #tpu.memory_space<hbm>>
      %dma_wait3A_31 = arith.constant 0 : i32
      %dma_wait3A_32 = arith.constant 0 : i32
      %dma_wait3A_33 = tpu.memref_slice %arg3[%arg1, %dma_wait3A_31, %dma_wait3A_32] : memref<16x158x128xi32, #tpu.memory_space<hbm>> -> memref<1x158x128xi32, #tpu.memory_space<hbm>>
      %dma_wait3A_34 = tpu.memref_squeeze %dma_wait3A_33 : memref<1x158x128xi32, #tpu.memory_space<hbm>> -> memref<158x128xi32, #tpu.memory_space<hbm>>
      tpu.wait_dma2 semaphore(%run_scoped3A : memref<!tpu.dma_semaphore, #tpu.memory_space<semaphore_mem>>) src(%dma_wait3A_34 : memref<158x128xi32, #tpu.memory_space<hbm>>) dst(%arg7 : memref<158x128xi32, #tpu.memory_space<vmem>>)
      tpu.yield
    }) : () -> ()
    "tpu.region"() ({
      %run_scoped3A = tpu.sem_alloc : memref<!tpu.dma_semaphore, #tpu.memory_space<semaphore_mem>>
      %dma_start3A_20 = arith.constant 0 : i32
      %dma_start3A_21 = arith.constant 0 : i32
      %dma_start3A_22 = tpu.memref_slice %arg4[%arg1, %dma_start3A_20, %dma_start3A_21] : memref<16x158x128xi32, #tpu.memory_space<hbm>> -> memref<1x158x128xi32, #tpu.memory_space<hbm>>
      %dma_start3A_23 = tpu.memref_squeeze %dma_start3A_22 : memref<1x158x128xi32, #tpu.memory_space<hbm>> -> memref<158x128xi32, #tpu.memory_space<hbm>>
      %dma_start3A_24 = arith.constant 0 : i32
      %dma_start3A_25 = arith.constant 0 : i32
      %dma_start3A_26 = tpu.memref_slice %arg4[%arg1, %dma_start3A_24, %dma_start3A_25] : memref<16x158x128xi32, #tpu.memory_space<hbm>> -> memref<1x158x128xi32, #tpu.memory_space<hbm>>
      %dma_start3A_27 = tpu.memref_squeeze %dma_start3A_26 : memref<1x158x128xi32, #tpu.memory_space<hbm>> -> memref<158x128xi32, #tpu.memory_space<hbm>>
      tpu.enqueue_dma source(%dma_start3A_27 : memref<158x128xi32, #tpu.memory_space<hbm>>) target(%arg8 : memref<158x128xi32, #tpu.memory_space<vmem>>) target_semaphore(%run_scoped3A : memref<!tpu.dma_semaphore, #tpu.memory_space<semaphore_mem>>)
      %dma_wait3A = arith.constant 0 : i32
      %dma_wait3A_28 = arith.constant 0 : i32
      %dma_wait3A_29 = tpu.memref_slice %arg4[%arg1, %dma_wait3A, %dma_wait3A_28] : memref<16x158x128xi32, #tpu.memory_space<hbm>> -> memref<1x158x128xi32, #tpu.memory_space<hbm>>
      %dma_wait3A_30 = tpu.memref_squeeze %dma_wait3A_29 : memref<1x158x128xi32, #tpu.memory_space<hbm>> -> memref<158x128xi32, #tpu.memory_space<hbm>>
      %dma_wait3A_31 = arith.constant 0 : i32
      %dma_wait3A_32 = arith.constant 0 : i32
      %dma_wait3A_33 = tpu.memref_slice %arg4[%arg1, %dma_wait3A_31, %dma_wait3A_32] : memref<16x158x128xi32, #tpu.memory_space<hbm>> -> memref<1x158x128xi32, #tpu.memory_space<hbm>>
      %dma_wait3A_34 = tpu.memref_squeeze %dma_wait3A_33 : memref<1x158x128xi32, #tpu.memory_space<hbm>> -> memref<158x128xi32, #tpu.memory_space<hbm>>
      tpu.wait_dma2 semaphore(%run_scoped3A : memref<!tpu.dma_semaphore, #tpu.memory_space<semaphore_mem>>) src(%dma_wait3A_34 : memref<158x128xi32, #tpu.memory_space<hbm>>) dst(%arg8 : memref<158x128xi32, #tpu.memory_space<vmem>>)
      tpu.yield
    }) : () -> ()
    %mul3A_1 = arith.constant 1 : i32
    %mul3A_2 = arith.muli %arg0, %mul3A_1 : i32
    %add3A = arith.constant 0 : i32
    %add3A_3 = arith.addi %mul3A_2, %add3A : i32
    %dma_start3A = arith.constant 0 : i32
    %dma_start3A_4 = arith.constant 0 : i32
    %dma_start3A_5 = tpu.memref_slice %arg7[%dma_start3A, %dma_start3A_4] : memref<158x128xi32, #tpu.memory_space<vmem>> -> memref<1x128xi32, #tpu.memory_space<vmem>>
    %dma_start3A_6 = tpu.memref_squeeze %dma_start3A_5 : memref<1x128xi32, #tpu.memory_space<vmem>> -> memref<128xi32, #tpu.memory_space<vmem>>
    %dma_start3A_7 = arith.constant 0 : i32
    %dma_start3A_8 = arith.constant 0 : i32
    %dma_start3A_9 = tpu.memref_slice %arg2[%add3A_3, %dma_start3A_7, %dma_start3A_8] : memref<2x10000x64xf32, #tpu.memory_space<hbm>> -> memref<1x10000x64xf32, #tpu.memory_space<hbm>>
    %dma_start3A_10 = tpu.memref_squeeze %dma_start3A_9 : memref<1x10000x64xf32, #tpu.memory_space<hbm>> -> memref<10000x64xf32, #tpu.memory_space<hbm>>
    %dma_start3A_11 = arith.constant 0 : i32
    %dma_start3A_12 = arith.constant 0 : i32
    %dma_start3A_13 = tpu.memref_slice %dma_start3A_10[%dma_start3A_11, %dma_start3A_12] : memref<10000x64xf32, #tpu.memory_space<hbm>> -> memref<10000x64xf32, #tpu.memory_space<hbm>>
    tpu.enqueue_indirect_dma source(%dma_start3A_13 : memref<10000x64xf32, #tpu.memory_space<hbm>>) target(%arg9 : memref<128x64xf32, #tpu.memory_space<vmem>>) offsets(%dma_start3A_6 : memref<128xi32, #tpu.memory_space<vmem>>) semaphore(%arg12 : memref<!tpu.dma_semaphore, #tpu.memory_space<semaphore_mem>>)
    "tpu.region"() ({
      %run_scoped3A = tpu.sem_alloc : memref<!tpu.dma_semaphore, #tpu.memory_space<semaphore_mem>>
      %dma_start3A_20 = arith.constant 0 : i32
      %dma_start3A_21 = tpu.memref_slice %arg11[%mul3A_0, %dma_start3A_20] : memref<10112x64xf32, #tpu.memory_space<vmem_shared>> -> memref<632x64xf32, #tpu.memory_space<vmem_shared>>
      %dma_start3A_22 = arith.constant 0 : i32
      %dma_start3A_23 = tpu.memref_slice %arg5[%mul3A_0, %dma_start3A_22] : memref<10112x64xf32, #tpu.memory_space<hbm>> -> memref<632x64xf32, #tpu.memory_space<hbm>>
      tpu.enqueue_dma source(%dma_start3A_23 : memref<632x64xf32, #tpu.memory_space<hbm>>) target(%dma_start3A_21 : memref<632x64xf32, #tpu.memory_space<vmem_shared>>) target_semaphore(%run_scoped3A : memref<!tpu.dma_semaphore, #tpu.memory_space<semaphore_mem>>)
      %dma_wait3A = arith.constant 0 : i32
      %dma_wait3A_24 = tpu.memref_slice %arg11[%mul3A_0, %dma_wait3A] : memref<10112x64xf32, #tpu.memory_space<vmem_shared>> -> memref<632x64xf32, #tpu.memory_space<vmem_shared>>
      %dma_wait3A_25 = arith.constant 0 : i32
      %dma_wait3A_26 = tpu.memref_slice %arg5[%mul3A_0, %dma_wait3A_25] : memref<10112x64xf32, #tpu.memory_space<hbm>> -> memref<632x64xf32, #tpu.memory_space<hbm>>
      tpu.wait_dma2 semaphore(%run_scoped3A : memref<!tpu.dma_semaphore, #tpu.memory_space<semaphore_mem>>) src(%dma_wait3A_26 : memref<632x64xf32, #tpu.memory_space<hbm>>) dst(%dma_wait3A_24 : memref<632x64xf32, #tpu.memory_space<vmem_shared>>)
      tpu.yield
    }) : () -> ()
    %barrier3A = arith.constant 0 : index
    tpu.barrier barrier_id(%barrier3A)
    %scan3A = arith.constant 0 : i32
    %scan3A_14 = arith.constant 0 : i32
    %scan3A_15 = arith.constant 79 : i32
    %scan3A_16 = arith.addi %scan3A_14, %scan3A_15 : i32
    %scan3A_17 = arith.constant 1 : i32
    scf.for %scan3A_20 = %scan3A_14 to %scan3A_16 step %scan3A_17  : i32 {
      %mul3A_21 = arith.constant 2 : i32
      %mul3A_22 = arith.muli %mul3A_21, %scan3A_20 : i32
      %dma_wait3A = arith.constant 0 : i32
      %dma_wait3A_23 = tpu.memref_slice %arg7[%mul3A_22, %dma_wait3A] : memref<158x128xi32, #tpu.memory_space<vmem>> -> memref<1x128xi32, #tpu.memory_space<vmem>>
      %dma_wait3A_24 = tpu.memref_squeeze %dma_wait3A_23 : memref<1x128xi32, #tpu.memory_space<vmem>> -> memref<128xi32, #tpu.memory_space<vmem>>
      %dma_wait3A_25 = arith.constant 0 : i32
      %dma_wait3A_26 = arith.constant 0 : i32
      %dma_wait3A_27 = tpu.memref_slice %arg2[%add3A_3, %dma_wait3A_25, %dma_wait3A_26] : memref<2x10000x64xf32, #tpu.memory_space<hbm>> -> memref<1x10000x64xf32, #tpu.memory_space<hbm>>
      %dma_wait3A_28 = tpu.memref_squeeze %dma_wait3A_27 : memref<1x10000x64xf32, #tpu.memory_space<hbm>> -> memref<10000x64xf32, #tpu.memory_space<hbm>>
      %dma_wait3A_29 = arith.constant 0 : i32
      %dma_wait3A_30 = arith.constant 0 : i32
      %dma_wait3A_31 = tpu.memref_slice %dma_wait3A_28[%dma_wait3A_29, %dma_wait3A_30] : memref<10000x64xf32, #tpu.memory_space<hbm>> -> memref<10000x64xf32, #tpu.memory_space<hbm>>
      tpu.wait_indirect_dma semaphore(%arg12 : memref<!tpu.dma_semaphore, #tpu.memory_space<semaphore_mem>>) src(%dma_wait3A_31 : memref<10000x64xf32, #tpu.memory_space<hbm>>) dst(%arg9 : memref<128x64xf32, #tpu.memory_space<vmem>>)
      %add3A_32 = arith.constant 1 : i32
      %add3A_33 = arith.addi %mul3A_22, %add3A_32 : i32
      %dma_start3A_34 = arith.constant 0 : i32
      %dma_start3A_35 = tpu.memref_slice %arg7[%add3A_33, %dma_start3A_34] : memref<158x128xi32, #tpu.memory_space<vmem>> -> memref<1x128xi32, #tpu.memory_space<vmem>>
      %dma_start3A_36 = tpu.memref_squeeze %dma_start3A_35 : memref<1x128xi32, #tpu.memory_space<vmem>> -> memref<128xi32, #tpu.memory_space<vmem>>
      %dma_start3A_37 = arith.constant 0 : i32
      %dma_start3A_38 = arith.constant 0 : i32
      %dma_start3A_39 = tpu.memref_slice %arg2[%add3A_3, %dma_start3A_37, %dma_start3A_38] : memref<2x10000x64xf32, #tpu.memory_space<hbm>> -> memref<1x10000x64xf32, #tpu.memory_space<hbm>>
      %dma_start3A_40 = tpu.memref_squeeze %dma_start3A_39 : memref<1x10000x64xf32, #tpu.memory_space<hbm>> -> memref<10000x64xf32, #tpu.memory_space<hbm>>
      %dma_start3A_41 = arith.constant 0 : i32
      %dma_start3A_42 = arith.constant 0 : i32
      %dma_start3A_43 = tpu.memref_slice %dma_start3A_40[%dma_start3A_41, %dma_start3A_42] : memref<10000x64xf32, #tpu.memory_space<hbm>> -> memref<10000x64xf32, #tpu.memory_space<hbm>>
      tpu.enqueue_indirect_dma source(%dma_start3A_43 : memref<10000x64xf32, #tpu.memory_space<hbm>>) target(%arg10 : memref<128x64xf32, #tpu.memory_space<vmem>>) offsets(%dma_start3A_36 : memref<128xi32, #tpu.memory_space<vmem>>) semaphore(%arg13 : memref<!tpu.dma_semaphore, #tpu.memory_space<semaphore_mem>>)
      "tpu.region"() ({
        %run_scoped3A = tpu.sem_alloc : memref<!tpu.dma_semaphore, #tpu.memory_space<semaphore_mem>>
        %dma_start3A_62 = arith.constant 0 : i32
        %dma_start3A_63 = tpu.memref_slice %arg8[%mul3A_22, %dma_start3A_62] : memref<158x128xi32, #tpu.memory_space<vmem>> -> memref<1x128xi32, #tpu.memory_space<vmem>>
        %dma_start3A_64 = tpu.memref_squeeze %dma_start3A_63 : memref<1x128xi32, #tpu.memory_space<vmem>> -> memref<128xi32, #tpu.memory_space<vmem>>
        %dma_start3A_65 = arith.constant 0 : i32
        %dma_start3A_66 = arith.constant 0 : i32
        %dma_start3A_67 = tpu.memref_slice %arg11[%dma_start3A_65, %dma_start3A_66] : memref<10112x64xf32, #tpu.memory_space<vmem_shared>> -> memref<10112x64xf32, #tpu.memory_space<vmem_shared>>
        tpu.enqueue_indirect_dma source(%arg9 : memref<128x64xf32, #tpu.memory_space<vmem>>) target(%dma_start3A_67 : memref<10112x64xf32, #tpu.memory_space<vmem_shared>>) offsets(%dma_start3A_64 : memref<128xi32, #tpu.memory_space<vmem>>) semaphore(%run_scoped3A : memref<!tpu.dma_semaphore, #tpu.memory_space<semaphore_mem>>) {add = true}
        %dma_wait3A_68 = arith.constant 0 : i32
        %dma_wait3A_69 = tpu.memref_slice %arg8[%mul3A_22, %dma_wait3A_68] : memref<158x128xi32, #tpu.memory_space<vmem>> -> memref<1x128xi32, #tpu.memory_space<vmem>>
        %dma_wait3A_70 = tpu.memref_squeeze %dma_wait3A_69 : memref<1x128xi32, #tpu.memory_space<vmem>> -> memref<128xi32, #tpu.memory_space<vmem>>
        %dma_wait3A_71 = arith.constant 0 : i32
        %dma_wait3A_72 = arith.constant 0 : i32
        %dma_wait3A_73 = tpu.memref_slice %arg11[%dma_wait3A_71, %dma_wait3A_72] : memref<10112x64xf32, #tpu.memory_space<vmem_shared>> -> memref<10112x64xf32, #tpu.memory_space<vmem_shared>>
        tpu.wait_indirect_dma semaphore(%run_scoped3A : memref<!tpu.dma_semaphore, #tpu.memory_space<semaphore_mem>>) src(%arg9 : memref<128x64xf32, #tpu.memory_space<vmem>>) dst(%dma_wait3A_73 : memref<10112x64xf32, #tpu.memory_space<vmem_shared>>)
        tpu.yield
      }) : () -> ()
      %add3A_44 = arith.constant 1 : i32
      %add3A_45 = arith.addi %mul3A_22, %add3A_44 : i32
      %dma_wait3A_46 = arith.constant 0 : i32
      %dma_wait3A_47 = tpu.memref_slice %arg7[%add3A_45, %dma_wait3A_46] : memref<158x128xi32, #tpu.memory_space<vmem>> -> memref<1x128xi32, #tpu.memory_space<vmem>>
      %dma_wait3A_48 = tpu.memref_squeeze %dma_wait3A_47 : memref<1x128xi32, #tpu.memory_space<vmem>> -> memref<128xi32, #tpu.memory_space<vmem>>
      %dma_wait3A_49 = arith.constant 0 : i32
      %dma_wait3A_50 = arith.constant 0 : i32
      %dma_wait3A_51 = tpu.memref_slice %arg2[%add3A_3, %dma_wait3A_49, %dma_wait3A_50] : memref<2x10000x64xf32, #tpu.memory_space<hbm>> -> memref<1x10000x64xf32, #tpu.memory_space<hbm>>
      %dma_wait3A_52 = tpu.memref_squeeze %dma_wait3A_51 : memref<1x10000x64xf32, #tpu.memory_space<hbm>> -> memref<10000x64xf32, #tpu.memory_space<hbm>>
      %dma_wait3A_53 = arith.constant 0 : i32
      %dma_wait3A_54 = arith.constant 0 : i32
      %dma_wait3A_55 = tpu.memref_slice %dma_wait3A_52[%dma_wait3A_53, %dma_wait3A_54] : memref<10000x64xf32, #tpu.memory_space<hbm>> -> memref<10000x64xf32, #tpu.memory_space<hbm>>
      tpu.wait_indirect_dma semaphore(%arg13 : memref<!tpu.dma_semaphore, #tpu.memory_space<semaphore_mem>>) src(%dma_wait3A_55 : memref<10000x64xf32, #tpu.memory_space<hbm>>) dst(%arg10 : memref<128x64xf32, #tpu.memory_space<vmem>>)
      %add3A_56 = arith.constant 1 : i32
      %add3A_57 = arith.addi %scan3A_20, %add3A_56 : i32
      %lt3A = arith.constant 79 : i32
      %lt3A_58 = arith.cmpi slt, %add3A_57, %lt3A : i32
      %convert_element_type3A = arith.extui %lt3A_58 : i1 to i32
      %cond3A = arith.constant 0 : i32
      %cond3A_59 = arith.cmpi ne, %convert_element_type3A, %cond3A : i32
      scf.if %cond3A_59 {
        %add3A_62 = arith.constant 2 : i32
        %add3A_63 = arith.addi %mul3A_22, %add3A_62 : i32
        %dma_start3A_64 = arith.constant 0 : i32
        %dma_start3A_65 = tpu.memref_slice %arg7[%add3A_63, %dma_start3A_64] : memref<158x128xi32, #tpu.memory_space<vmem>> -> memref<1x128xi32, #tpu.memory_space<vmem>>
        %dma_start3A_66 = tpu.memref_squeeze %dma_start3A_65 : memref<1x128xi32, #tpu.memory_space<vmem>> -> memref<128xi32, #tpu.memory_space<vmem>>
        %dma_start3A_67 = arith.constant 0 : i32
        %dma_start3A_68 = arith.constant 0 : i32
        %dma_start3A_69 = tpu.memref_slice %arg2[%add3A_3, %dma_start3A_67, %dma_start3A_68] : memref<2x10000x64xf32, #tpu.memory_space<hbm>> -> memref<1x10000x64xf32, #tpu.memory_space<hbm>>
        %dma_start3A_70 = tpu.memref_squeeze %dma_start3A_69 : memref<1x10000x64xf32, #tpu.memory_space<hbm>> -> memref<10000x64xf32, #tpu.memory_space<hbm>>
        %dma_start3A_71 = arith.constant 0 : i32
        %dma_start3A_72 = arith.constant 0 : i32
        %dma_start3A_73 = tpu.memref_slice %dma_start3A_70[%dma_start3A_71, %dma_start3A_72] : memref<10000x64xf32, #tpu.memory_space<hbm>> -> memref<10000x64xf32, #tpu.memory_space<hbm>>
        tpu.enqueue_indirect_dma source(%dma_start3A_73 : memref<10000x64xf32, #tpu.memory_space<hbm>>) target(%arg9 : memref<128x64xf32, #tpu.memory_space<vmem>>) offsets(%dma_start3A_66 : memref<128xi32, #tpu.memory_space<vmem>>) semaphore(%arg12 : memref<!tpu.dma_semaphore, #tpu.memory_space<semaphore_mem>>)
      } else {
      }
      %add3A_60 = arith.constant 1 : i32
      %add3A_61 = arith.addi %mul3A_22, %add3A_60 : i32
      "tpu.region"() ({
        %run_scoped3A = tpu.sem_alloc : memref<!tpu.dma_semaphore, #tpu.memory_space<semaphore_mem>>
        %dma_start3A_62 = arith.constant 0 : i32
        %dma_start3A_63 = tpu.memref_slice %arg8[%add3A_61, %dma_start3A_62] : memref<158x128xi32, #tpu.memory_space<vmem>> -> memref<1x128xi32, #tpu.memory_space<vmem>>
        %dma_start3A_64 = tpu.memref_squeeze %dma_start3A_63 : memref<1x128xi32, #tpu.memory_space<vmem>> -> memref<128xi32, #tpu.memory_space<vmem>>
        %dma_start3A_65 = arith.constant 0 : i32
        %dma_start3A_66 = arith.constant 0 : i32
        %dma_start3A_67 = tpu.memref_slice %arg11[%dma_start3A_65, %dma_start3A_66] : memref<10112x64xf32, #tpu.memory_space<vmem_shared>> -> memref<10112x64xf32, #tpu.memory_space<vmem_shared>>
        tpu.enqueue_indirect_dma source(%arg10 : memref<128x64xf32, #tpu.memory_space<vmem>>) target(%dma_start3A_67 : memref<10112x64xf32, #tpu.memory_space<vmem_shared>>) offsets(%dma_start3A_64 : memref<128xi32, #tpu.memory_space<vmem>>) semaphore(%run_scoped3A : memref<!tpu.dma_semaphore, #tpu.memory_space<semaphore_mem>>) {add = true}
        %dma_wait3A_68 = arith.constant 0 : i32
        %dma_wait3A_69 = tpu.memref_slice %arg8[%add3A_61, %dma_wait3A_68] : memref<158x128xi32, #tpu.memory_space<vmem>> -> memref<1x128xi32, #tpu.memory_space<vmem>>
        %dma_wait3A_70 = tpu.memref_squeeze %dma_wait3A_69 : memref<1x128xi32, #tpu.memory_space<vmem>> -> memref<128xi32, #tpu.memory_space<vmem>>
        %dma_wait3A_71 = arith.constant 0 : i32
        %dma_wait3A_72 = arith.constant 0 : i32
        %dma_wait3A_73 = tpu.memref_slice %arg11[%dma_wait3A_71, %dma_wait3A_72] : memref<10112x64xf32, #tpu.memory_space<vmem_shared>> -> memref<10112x64xf32, #tpu.memory_space<vmem_shared>>
        tpu.wait_indirect_dma semaphore(%run_scoped3A : memref<!tpu.dma_semaphore, #tpu.memory_space<semaphore_mem>>) src(%arg10 : memref<128x64xf32, #tpu.memory_space<vmem>>) dst(%dma_wait3A_73 : memref<10112x64xf32, #tpu.memory_space<vmem_shared>>)
        tpu.yield
      }) : () -> ()
    }
    %scan3A_18 = arith.constant 79 : i32
    %barrier3A_19 = arith.constant 0 : index
    tpu.barrier barrier_id(%barrier3A_19)
    "tpu.region"() ({
      %run_scoped3A = tpu.sem_alloc : memref<!tpu.dma_semaphore, #tpu.memory_space<semaphore_mem>>
      %dma_start3A_20 = arith.constant 0 : i32
      %dma_start3A_21 = arith.constant 0 : i32
      %dma_start3A_22 = tpu.memref_slice %arg6[%add3A_3, %dma_start3A_20, %dma_start3A_21] : memref<2x10112x64xf32, #tpu.memory_space<hbm>> -> memref<1x10112x64xf32, #tpu.memory_space<hbm>>
      %dma_start3A_23 = tpu.memref_squeeze %dma_start3A_22 : memref<1x10112x64xf32, #tpu.memory_space<hbm>> -> memref<10112x64xf32, #tpu.memory_space<hbm>>
      %dma_start3A_24 = arith.constant 0 : i32
      %dma_start3A_25 = tpu.memref_slice %dma_start3A_23[%mul3A_0, %dma_start3A_24] : memref<10112x64xf32, #tpu.memory_space<hbm>> -> memref<632x64xf32, #tpu.memory_space<hbm>>
      %dma_start3A_26 = arith.constant 0 : i32
      %dma_start3A_27 = tpu.memref_slice %arg11[%mul3A_0, %dma_start3A_26] : memref<10112x64xf32, #tpu.memory_space<vmem_shared>> -> memref<632x64xf32, #tpu.memory_space<vmem_shared>>
      tpu.enqueue_dma source(%dma_start3A_27 : memref<632x64xf32, #tpu.memory_space<vmem_shared>>) target(%dma_start3A_25 : memref<632x64xf32, #tpu.memory_space<hbm>>) target_semaphore(%run_scoped3A : memref<!tpu.dma_semaphore, #tpu.memory_space<semaphore_mem>>)
      %dma_wait3A = arith.constant 0 : i32
      %dma_wait3A_28 = arith.constant 0 : i32
      %dma_wait3A_29 = tpu.memref_slice %arg6[%add3A_3, %dma_wait3A, %dma_wait3A_28] : memref<2x10112x64xf32, #tpu.memory_space<hbm>> -> memref<1x10112x64xf32, #tpu.memory_space<hbm>>
      %dma_wait3A_30 = tpu.memref_squeeze %dma_wait3A_29 : memref<1x10112x64xf32, #tpu.memory_space<hbm>> -> memref<10112x64xf32, #tpu.memory_space<hbm>>
      %dma_wait3A_31 = arith.constant 0 : i32
      %dma_wait3A_32 = tpu.memref_slice %dma_wait3A_30[%mul3A_0, %dma_wait3A_31] : memref<10112x64xf32, #tpu.memory_space<hbm>> -> memref<632x64xf32, #tpu.memory_space<hbm>>
      %dma_wait3A_33 = arith.constant 0 : i32
      %dma_wait3A_34 = tpu.memref_slice %arg11[%mul3A_0, %dma_wait3A_33] : memref<10112x64xf32, #tpu.memory_space<vmem_shared>> -> memref<632x64xf32, #tpu.memory_space<vmem_shared>>
      tpu.wait_dma2 semaphore(%run_scoped3A : memref<!tpu.dma_semaphore, #tpu.memory_space<semaphore_mem>>) src(%dma_wait3A_34 : memref<632x64xf32, #tpu.memory_space<vmem_shared>>) dst(%dma_wait3A_32 : memref<632x64xf32, #tpu.memory_space<hbm>>)
      tpu.yield
    }) : () -> ()
    return
  }
}

#map = affine_map<(d0, d1) -> (0, 0, 0)>
#map1 = affine_map<(d0, d1) -> (0, 0)>
#map2 = affine_map<(d0, d1) -> (0)>
module attributes {stable_mosaic.version = 14 : i64} {
  func.func @body(%arg0: i32, %arg1: i32, %arg2: memref<4x10000x96xf32, #tpu.memory_space<hbm>>, %arg3: memref<16x158x128xi32, #tpu.memory_space<hbm>>, %arg4: memref<16x158x128xi32, #tpu.memory_space<hbm>>, %arg5: memref<10112x96xf32, #tpu.memory_space<hbm>>, %arg6: memref<10112xf32, #tpu.memory_space<hbm>>, %arg7: memref<128xf32, #tpu.memory_space<hbm>>, %arg8: memref<4x10112x96xf32, #tpu.memory_space<hbm>>, %arg9: memref<10112xf32, #tpu.memory_space<hbm>>, %arg10: memref<158x128xi32, #tpu.memory_space<vmem>>, %arg11: memref<158x128xi32, #tpu.memory_space<vmem>>, %arg12: memref<128x96xf32, #tpu.memory_space<vmem>>, %arg13: memref<128x96xf32, #tpu.memory_space<vmem>>, %arg14: memref<10112x96xf32, #tpu.memory_space<vmem_shared>>, %arg15: memref<!tpu.dma_semaphore, #tpu.memory_space<semaphore_mem>>, %arg16: memref<!tpu.dma_semaphore, #tpu.memory_space<semaphore_mem>>, %arg17: memref<128xf32, #tpu.memory_space<vmem>>, %arg18: memref<10112xf32, #tpu.memory_space<vmem_shared>>) attributes {dimension_semantics = [#tpu.dimension_semantics<core_parallel>, #tpu.dimension_semantics<subcore_parallel>], iteration_bounds = array<i64: 2, 16>, scalar_prefetch = 0 : i64, scratch_operands = 9 : i64, tpu.core_type = #tpu.core_type<sc_vector_subcore>, window_params = [{transform_indices = #map}, {transform_indices = #map}, {transform_indices = #map}, {transform_indices = #map1}, {transform_indices = #map2}, {transform_indices = #map2}, {transform_indices = #map}, {transform_indices = #map2}]} {
    %mul3A = arith.constant 632 : i32
    %mul3A_0 = arith.muli %arg1, %mul3A : i32
    "tpu.region"() ({
      %run_scoped3A = tpu.sem_alloc : memref<!tpu.dma_semaphore, #tpu.memory_space<semaphore_mem>>
      %dma_start3A_60 = arith.constant 0 : i32
      %dma_start3A_61 = arith.constant 0 : i32
      %dma_start3A_62 = tpu.memref_slice %arg3[%arg1, %dma_start3A_60, %dma_start3A_61] : memref<16x158x128xi32, #tpu.memory_space<hbm>> -> memref<1x158x128xi32, #tpu.memory_space<hbm>>
      %dma_start3A_63 = tpu.memref_squeeze %dma_start3A_62 : memref<1x158x128xi32, #tpu.memory_space<hbm>> -> memref<158x128xi32, #tpu.memory_space<hbm>>
      %dma_start3A_64 = arith.constant 0 : i32
      %dma_start3A_65 = arith.constant 0 : i32
      %dma_start3A_66 = tpu.memref_slice %arg3[%arg1, %dma_start3A_64, %dma_start3A_65] : memref<16x158x128xi32, #tpu.memory_space<hbm>> -> memref<1x158x128xi32, #tpu.memory_space<hbm>>
      %dma_start3A_67 = tpu.memref_squeeze %dma_start3A_66 : memref<1x158x128xi32, #tpu.memory_space<hbm>> -> memref<158x128xi32, #tpu.memory_space<hbm>>
      tpu.enqueue_dma source(%dma_start3A_67 : memref<158x128xi32, #tpu.memory_space<hbm>>) target(%arg10 : memref<158x128xi32, #tpu.memory_space<vmem>>) target_semaphore(%run_scoped3A : memref<!tpu.dma_semaphore, #tpu.memory_space<semaphore_mem>>)
      %dma_wait3A = arith.constant 0 : i32
      %dma_wait3A_68 = arith.constant 0 : i32
      %dma_wait3A_69 = tpu.memref_slice %arg3[%arg1, %dma_wait3A, %dma_wait3A_68] : memref<16x158x128xi32, #tpu.memory_space<hbm>> -> memref<1x158x128xi32, #tpu.memory_space<hbm>>
      %dma_wait3A_70 = tpu.memref_squeeze %dma_wait3A_69 : memref<1x158x128xi32, #tpu.memory_space<hbm>> -> memref<158x128xi32, #tpu.memory_space<hbm>>
      %dma_wait3A_71 = arith.constant 0 : i32
      %dma_wait3A_72 = arith.constant 0 : i32
      %dma_wait3A_73 = tpu.memref_slice %arg3[%arg1, %dma_wait3A_71, %dma_wait3A_72] : memref<16x158x128xi32, #tpu.memory_space<hbm>> -> memref<1x158x128xi32, #tpu.memory_space<hbm>>
      %dma_wait3A_74 = tpu.memref_squeeze %dma_wait3A_73 : memref<1x158x128xi32, #tpu.memory_space<hbm>> -> memref<158x128xi32, #tpu.memory_space<hbm>>
      tpu.wait_dma2 semaphore(%run_scoped3A : memref<!tpu.dma_semaphore, #tpu.memory_space<semaphore_mem>>) src(%dma_wait3A_74 : memref<158x128xi32, #tpu.memory_space<hbm>>) dst(%arg10 : memref<158x128xi32, #tpu.memory_space<vmem>>)
      tpu.yield
    }) : () -> ()
    "tpu.region"() ({
      %run_scoped3A = tpu.sem_alloc : memref<!tpu.dma_semaphore, #tpu.memory_space<semaphore_mem>>
      %dma_start3A_60 = arith.constant 0 : i32
      %dma_start3A_61 = arith.constant 0 : i32
      %dma_start3A_62 = tpu.memref_slice %arg4[%arg1, %dma_start3A_60, %dma_start3A_61] : memref<16x158x128xi32, #tpu.memory_space<hbm>> -> memref<1x158x128xi32, #tpu.memory_space<hbm>>
      %dma_start3A_63 = tpu.memref_squeeze %dma_start3A_62 : memref<1x158x128xi32, #tpu.memory_space<hbm>> -> memref<158x128xi32, #tpu.memory_space<hbm>>
      %dma_start3A_64 = arith.constant 0 : i32
      %dma_start3A_65 = arith.constant 0 : i32
      %dma_start3A_66 = tpu.memref_slice %arg4[%arg1, %dma_start3A_64, %dma_start3A_65] : memref<16x158x128xi32, #tpu.memory_space<hbm>> -> memref<1x158x128xi32, #tpu.memory_space<hbm>>
      %dma_start3A_67 = tpu.memref_squeeze %dma_start3A_66 : memref<1x158x128xi32, #tpu.memory_space<hbm>> -> memref<158x128xi32, #tpu.memory_space<hbm>>
      tpu.enqueue_dma source(%dma_start3A_67 : memref<158x128xi32, #tpu.memory_space<hbm>>) target(%arg11 : memref<158x128xi32, #tpu.memory_space<vmem>>) target_semaphore(%run_scoped3A : memref<!tpu.dma_semaphore, #tpu.memory_space<semaphore_mem>>)
      %dma_wait3A = arith.constant 0 : i32
      %dma_wait3A_68 = arith.constant 0 : i32
      %dma_wait3A_69 = tpu.memref_slice %arg4[%arg1, %dma_wait3A, %dma_wait3A_68] : memref<16x158x128xi32, #tpu.memory_space<hbm>> -> memref<1x158x128xi32, #tpu.memory_space<hbm>>
      %dma_wait3A_70 = tpu.memref_squeeze %dma_wait3A_69 : memref<1x158x128xi32, #tpu.memory_space<hbm>> -> memref<158x128xi32, #tpu.memory_space<hbm>>
      %dma_wait3A_71 = arith.constant 0 : i32
      %dma_wait3A_72 = arith.constant 0 : i32
      %dma_wait3A_73 = tpu.memref_slice %arg4[%arg1, %dma_wait3A_71, %dma_wait3A_72] : memref<16x158x128xi32, #tpu.memory_space<hbm>> -> memref<1x158x128xi32, #tpu.memory_space<hbm>>
      %dma_wait3A_74 = tpu.memref_squeeze %dma_wait3A_73 : memref<1x158x128xi32, #tpu.memory_space<hbm>> -> memref<158x128xi32, #tpu.memory_space<hbm>>
      tpu.wait_dma2 semaphore(%run_scoped3A : memref<!tpu.dma_semaphore, #tpu.memory_space<semaphore_mem>>) src(%dma_wait3A_74 : memref<158x128xi32, #tpu.memory_space<hbm>>) dst(%arg11 : memref<158x128xi32, #tpu.memory_space<vmem>>)
      tpu.yield
    }) : () -> ()
    %eq3A = arith.constant 0 : i32
    %eq3A_1 = arith.cmpi eq, %arg0, %eq3A : i32
    %convert_element_type3A = arith.extui %eq3A_1 : i1 to i32
    %cond3A = arith.constant 0 : i32
    %cond3A_2 = arith.cmpi ne, %convert_element_type3A, %cond3A : i32
    scf.if %cond3A_2 {
      "tpu.region"() ({
        %run_scoped3A = tpu.sem_alloc : memref<!tpu.dma_semaphore, #tpu.memory_space<semaphore_mem>>
        tpu.enqueue_dma source(%arg7 : memref<128xf32, #tpu.memory_space<hbm>>) target(%arg17 : memref<128xf32, #tpu.memory_space<vmem>>) target_semaphore(%run_scoped3A : memref<!tpu.dma_semaphore, #tpu.memory_space<semaphore_mem>>)
        tpu.wait_dma2 semaphore(%run_scoped3A : memref<!tpu.dma_semaphore, #tpu.memory_space<semaphore_mem>>) src(%arg7 : memref<128xf32, #tpu.memory_space<hbm>>) dst(%arg17 : memref<128xf32, #tpu.memory_space<vmem>>)
        tpu.yield
      }) : () -> ()
    } else {
    }
    %eq3A_3 = arith.constant 0 : i32
    %eq3A_4 = arith.cmpi eq, %arg0, %eq3A_3 : i32
    %eq3A_5 = arith.constant 0 : i32
    %eq3A_6 = arith.cmpi eq, %arg1, %eq3A_5 : i32
    %and3A = arith.andi %eq3A_4, %eq3A_6 : i1
    %convert_element_type3A_7 = arith.extui %and3A : i1 to i32
    %cond3A_8 = arith.constant 0 : i32
    %cond3A_9 = arith.cmpi ne, %convert_element_type3A_7, %cond3A_8 : i32
    scf.if %cond3A_9 {
      "tpu.region"() ({
        %run_scoped3A = tpu.sem_alloc : memref<!tpu.dma_semaphore, #tpu.memory_space<semaphore_mem>>
        tpu.enqueue_dma source(%arg6 : memref<10112xf32, #tpu.memory_space<hbm>>) target(%arg18 : memref<10112xf32, #tpu.memory_space<vmem_shared>>) target_semaphore(%run_scoped3A : memref<!tpu.dma_semaphore, #tpu.memory_space<semaphore_mem>>)
        tpu.wait_dma2 semaphore(%run_scoped3A : memref<!tpu.dma_semaphore, #tpu.memory_space<semaphore_mem>>) src(%arg6 : memref<10112xf32, #tpu.memory_space<hbm>>) dst(%arg18 : memref<10112xf32, #tpu.memory_space<vmem_shared>>)
        tpu.yield
      }) : () -> ()
    } else {
    }
    %mul3A_10 = arith.constant 2 : i32
    %mul3A_11 = arith.muli %arg0, %mul3A_10 : i32
    %add3A = arith.constant 0 : i32
    %add3A_12 = arith.addi %mul3A_11, %add3A : i32
    %dma_start3A = arith.constant 0 : i32
    %dma_start3A_13 = arith.constant 0 : i32
    %dma_start3A_14 = tpu.memref_slice %arg10[%dma_start3A, %dma_start3A_13] : memref<158x128xi32, #tpu.memory_space<vmem>> -> memref<1x128xi32, #tpu.memory_space<vmem>>
    %dma_start3A_15 = tpu.memref_squeeze %dma_start3A_14 : memref<1x128xi32, #tpu.memory_space<vmem>> -> memref<128xi32, #tpu.memory_space<vmem>>
    %dma_start3A_16 = arith.constant 0 : i32
    %dma_start3A_17 = arith.constant 0 : i32
    %dma_start3A_18 = tpu.memref_slice %arg2[%add3A_12, %dma_start3A_16, %dma_start3A_17] : memref<4x10000x96xf32, #tpu.memory_space<hbm>> -> memref<1x10000x96xf32, #tpu.memory_space<hbm>>
    %dma_start3A_19 = tpu.memref_squeeze %dma_start3A_18 : memref<1x10000x96xf32, #tpu.memory_space<hbm>> -> memref<10000x96xf32, #tpu.memory_space<hbm>>
    %dma_start3A_20 = arith.constant 0 : i32
    %dma_start3A_21 = arith.constant 0 : i32
    %dma_start3A_22 = tpu.memref_slice %dma_start3A_19[%dma_start3A_20, %dma_start3A_21] : memref<10000x96xf32, #tpu.memory_space<hbm>> -> memref<10000x96xf32, #tpu.memory_space<hbm>>
    tpu.enqueue_indirect_dma source(%dma_start3A_22 : memref<10000x96xf32, #tpu.memory_space<hbm>>) target(%arg12 : memref<128x96xf32, #tpu.memory_space<vmem>>) offsets(%dma_start3A_15 : memref<128xi32, #tpu.memory_space<vmem>>) semaphore(%arg15 : memref<!tpu.dma_semaphore, #tpu.memory_space<semaphore_mem>>)
    "tpu.region"() ({
      %run_scoped3A = tpu.sem_alloc : memref<!tpu.dma_semaphore, #tpu.memory_space<semaphore_mem>>
      %dma_start3A_60 = arith.constant 0 : i32
      %dma_start3A_61 = tpu.memref_slice %arg14[%mul3A_0, %dma_start3A_60] : memref<10112x96xf32, #tpu.memory_space<vmem_shared>> -> memref<632x96xf32, #tpu.memory_space<vmem_shared>>
      %dma_start3A_62 = arith.constant 0 : i32
      %dma_start3A_63 = tpu.memref_slice %arg5[%mul3A_0, %dma_start3A_62] : memref<10112x96xf32, #tpu.memory_space<hbm>> -> memref<632x96xf32, #tpu.memory_space<hbm>>
      tpu.enqueue_dma source(%dma_start3A_63 : memref<632x96xf32, #tpu.memory_space<hbm>>) target(%dma_start3A_61 : memref<632x96xf32, #tpu.memory_space<vmem_shared>>) target_semaphore(%run_scoped3A : memref<!tpu.dma_semaphore, #tpu.memory_space<semaphore_mem>>)
      %dma_wait3A = arith.constant 0 : i32
      %dma_wait3A_64 = tpu.memref_slice %arg14[%mul3A_0, %dma_wait3A] : memref<10112x96xf32, #tpu.memory_space<vmem_shared>> -> memref<632x96xf32, #tpu.memory_space<vmem_shared>>
      %dma_wait3A_65 = arith.constant 0 : i32
      %dma_wait3A_66 = tpu.memref_slice %arg5[%mul3A_0, %dma_wait3A_65] : memref<10112x96xf32, #tpu.memory_space<hbm>> -> memref<632x96xf32, #tpu.memory_space<hbm>>
      tpu.wait_dma2 semaphore(%run_scoped3A : memref<!tpu.dma_semaphore, #tpu.memory_space<semaphore_mem>>) src(%dma_wait3A_66 : memref<632x96xf32, #tpu.memory_space<hbm>>) dst(%dma_wait3A_64 : memref<632x96xf32, #tpu.memory_space<vmem_shared>>)
      tpu.yield
    }) : () -> ()
    %barrier3A = arith.constant 0 : index
    tpu.barrier barrier_id(%barrier3A)
    %scan3A = arith.constant 0 : i32
    %scan3A_23 = arith.constant 0 : i32
    %scan3A_24 = arith.constant 79 : i32
    %scan3A_25 = arith.addi %scan3A_23, %scan3A_24 : i32
    %scan3A_26 = arith.constant 1 : i32
    scf.for %scan3A_60 = %scan3A_23 to %scan3A_25 step %scan3A_26  : i32 {
      %mul3A_61 = arith.constant 2 : i32
      %mul3A_62 = arith.muli %mul3A_61, %scan3A_60 : i32
      %dma_wait3A = arith.constant 0 : i32
      %dma_wait3A_63 = tpu.memref_slice %arg10[%mul3A_62, %dma_wait3A] : memref<158x128xi32, #tpu.memory_space<vmem>> -> memref<1x128xi32, #tpu.memory_space<vmem>>
      %dma_wait3A_64 = tpu.memref_squeeze %dma_wait3A_63 : memref<1x128xi32, #tpu.memory_space<vmem>> -> memref<128xi32, #tpu.memory_space<vmem>>
      %dma_wait3A_65 = arith.constant 0 : i32
      %dma_wait3A_66 = arith.constant 0 : i32
      %dma_wait3A_67 = tpu.memref_slice %arg2[%add3A_12, %dma_wait3A_65, %dma_wait3A_66] : memref<4x10000x96xf32, #tpu.memory_space<hbm>> -> memref<1x10000x96xf32, #tpu.memory_space<hbm>>
      %dma_wait3A_68 = tpu.memref_squeeze %dma_wait3A_67 : memref<1x10000x96xf32, #tpu.memory_space<hbm>> -> memref<10000x96xf32, #tpu.memory_space<hbm>>
      %dma_wait3A_69 = arith.constant 0 : i32
      %dma_wait3A_70 = arith.constant 0 : i32
      %dma_wait3A_71 = tpu.memref_slice %dma_wait3A_68[%dma_wait3A_69, %dma_wait3A_70] : memref<10000x96xf32, #tpu.memory_space<hbm>> -> memref<10000x96xf32, #tpu.memory_space<hbm>>
      tpu.wait_indirect_dma semaphore(%arg15 : memref<!tpu.dma_semaphore, #tpu.memory_space<semaphore_mem>>) src(%dma_wait3A_71 : memref<10000x96xf32, #tpu.memory_space<hbm>>) dst(%arg12 : memref<128x96xf32, #tpu.memory_space<vmem>>)
      %add3A_72 = arith.constant 1 : i32
      %add3A_73 = arith.addi %mul3A_62, %add3A_72 : i32
      %dma_start3A_74 = arith.constant 0 : i32
      %dma_start3A_75 = tpu.memref_slice %arg10[%add3A_73, %dma_start3A_74] : memref<158x128xi32, #tpu.memory_space<vmem>> -> memref<1x128xi32, #tpu.memory_space<vmem>>
      %dma_start3A_76 = tpu.memref_squeeze %dma_start3A_75 : memref<1x128xi32, #tpu.memory_space<vmem>> -> memref<128xi32, #tpu.memory_space<vmem>>
      %dma_start3A_77 = arith.constant 0 : i32
      %dma_start3A_78 = arith.constant 0 : i32
      %dma_start3A_79 = tpu.memref_slice %arg2[%add3A_12, %dma_start3A_77, %dma_start3A_78] : memref<4x10000x96xf32, #tpu.memory_space<hbm>> -> memref<1x10000x96xf32, #tpu.memory_space<hbm>>
      %dma_start3A_80 = tpu.memref_squeeze %dma_start3A_79 : memref<1x10000x96xf32, #tpu.memory_space<hbm>> -> memref<10000x96xf32, #tpu.memory_space<hbm>>
      %dma_start3A_81 = arith.constant 0 : i32
      %dma_start3A_82 = arith.constant 0 : i32
      %dma_start3A_83 = tpu.memref_slice %dma_start3A_80[%dma_start3A_81, %dma_start3A_82] : memref<10000x96xf32, #tpu.memory_space<hbm>> -> memref<10000x96xf32, #tpu.memory_space<hbm>>
      tpu.enqueue_indirect_dma source(%dma_start3A_83 : memref<10000x96xf32, #tpu.memory_space<hbm>>) target(%arg13 : memref<128x96xf32, #tpu.memory_space<vmem>>) offsets(%dma_start3A_76 : memref<128xi32, #tpu.memory_space<vmem>>) semaphore(%arg16 : memref<!tpu.dma_semaphore, #tpu.memory_space<semaphore_mem>>)
      "tpu.region"() ({
        %run_scoped3A = tpu.sem_alloc : memref<!tpu.dma_semaphore, #tpu.memory_space<semaphore_mem>>
        %dma_start3A_114 = arith.constant 0 : i32
        %dma_start3A_115 = tpu.memref_slice %arg11[%mul3A_62, %dma_start3A_114] : memref<158x128xi32, #tpu.memory_space<vmem>> -> memref<1x128xi32, #tpu.memory_space<vmem>>
        %dma_start3A_116 = tpu.memref_squeeze %dma_start3A_115 : memref<1x128xi32, #tpu.memory_space<vmem>> -> memref<128xi32, #tpu.memory_space<vmem>>
        %dma_start3A_117 = arith.constant 0 : i32
        %dma_start3A_118 = arith.constant 0 : i32
        %dma_start3A_119 = tpu.memref_slice %arg14[%dma_start3A_117, %dma_start3A_118] : memref<10112x96xf32, #tpu.memory_space<vmem_shared>> -> memref<10112x96xf32, #tpu.memory_space<vmem_shared>>
        tpu.enqueue_indirect_dma source(%arg12 : memref<128x96xf32, #tpu.memory_space<vmem>>) target(%dma_start3A_119 : memref<10112x96xf32, #tpu.memory_space<vmem_shared>>) offsets(%dma_start3A_116 : memref<128xi32, #tpu.memory_space<vmem>>) semaphore(%run_scoped3A : memref<!tpu.dma_semaphore, #tpu.memory_space<semaphore_mem>>) {add = true}
        %dma_wait3A_120 = arith.constant 0 : i32
        %dma_wait3A_121 = tpu.memref_slice %arg11[%mul3A_62, %dma_wait3A_120] : memref<158x128xi32, #tpu.memory_space<vmem>> -> memref<1x128xi32, #tpu.memory_space<vmem>>
        %dma_wait3A_122 = tpu.memref_squeeze %dma_wait3A_121 : memref<1x128xi32, #tpu.memory_space<vmem>> -> memref<128xi32, #tpu.memory_space<vmem>>
        %dma_wait3A_123 = arith.constant 0 : i32
        %dma_wait3A_124 = arith.constant 0 : i32
        %dma_wait3A_125 = tpu.memref_slice %arg14[%dma_wait3A_123, %dma_wait3A_124] : memref<10112x96xf32, #tpu.memory_space<vmem_shared>> -> memref<10112x96xf32, #tpu.memory_space<vmem_shared>>
        tpu.wait_indirect_dma semaphore(%run_scoped3A : memref<!tpu.dma_semaphore, #tpu.memory_space<semaphore_mem>>) src(%arg12 : memref<128x96xf32, #tpu.memory_space<vmem>>) dst(%dma_wait3A_125 : memref<10112x96xf32, #tpu.memory_space<vmem_shared>>)
        tpu.yield
      }) : () -> ()
      %eq3A_84 = arith.constant 0 : i32
      %eq3A_85 = arith.cmpi eq, %arg0, %eq3A_84 : i32
      %convert_element_type3A_86 = arith.extui %eq3A_85 : i1 to i32
      %cond3A_87 = arith.constant 0 : i32
      %cond3A_88 = arith.cmpi ne, %convert_element_type3A_86, %cond3A_87 : i32
      scf.if %cond3A_88 {
        "tpu.region"() ({
          %run_scoped3A = tpu.sem_alloc : memref<!tpu.dma_semaphore, #tpu.memory_space<semaphore_mem>>
          %dma_start3A_114 = arith.constant 0 : i32
          %dma_start3A_115 = tpu.memref_slice %arg11[%mul3A_62, %dma_start3A_114] : memref<158x128xi32, #tpu.memory_space<vmem>> -> memref<1x128xi32, #tpu.memory_space<vmem>>
          %dma_start3A_116 = tpu.memref_squeeze %dma_start3A_115 : memref<1x128xi32, #tpu.memory_space<vmem>> -> memref<128xi32, #tpu.memory_space<vmem>>
          %dma_start3A_117 = arith.constant 0 : i32
          %dma_start3A_118 = tpu.memref_slice %arg18[%dma_start3A_117] : memref<10112xf32, #tpu.memory_space<vmem_shared>> -> memref<10112xf32, #tpu.memory_space<vmem_shared>>
          tpu.enqueue_indirect_dma source(%arg17 : memref<128xf32, #tpu.memory_space<vmem>>) target(%dma_start3A_118 : memref<10112xf32, #tpu.memory_space<vmem_shared>>) offsets(%dma_start3A_116 : memref<128xi32, #tpu.memory_space<vmem>>) semaphore(%run_scoped3A : memref<!tpu.dma_semaphore, #tpu.memory_space<semaphore_mem>>) {add = true}
          %dma_wait3A_119 = arith.constant 0 : i32
          %dma_wait3A_120 = tpu.memref_slice %arg11[%mul3A_62, %dma_wait3A_119] : memref<158x128xi32, #tpu.memory_space<vmem>> -> memref<1x128xi32, #tpu.memory_space<vmem>>
          %dma_wait3A_121 = tpu.memref_squeeze %dma_wait3A_120 : memref<1x128xi32, #tpu.memory_space<vmem>> -> memref<128xi32, #tpu.memory_space<vmem>>
          %dma_wait3A_122 = arith.constant 0 : i32
          %dma_wait3A_123 = tpu.memref_slice %arg18[%dma_wait3A_122] : memref<10112xf32, #tpu.memory_space<vmem_shared>> -> memref<10112xf32, #tpu.memory_space<vmem_shared>>
          tpu.wait_indirect_dma semaphore(%run_scoped3A : memref<!tpu.dma_semaphore, #tpu.memory_space<semaphore_mem>>) src(%arg17 : memref<128xf32, #tpu.memory_space<vmem>>) dst(%dma_wait3A_123 : memref<10112xf32, #tpu.memory_space<vmem_shared>>)
          tpu.yield
        }) : () -> ()
      } else {
      }
      %add3A_89 = arith.constant 1 : i32
      %add3A_90 = arith.addi %mul3A_62, %add3A_89 : i32
      %dma_wait3A_91 = arith.constant 0 : i32
      %dma_wait3A_92 = tpu.memref_slice %arg10[%add3A_90, %dma_wait3A_91] : memref<158x128xi32, #tpu.memory_space<vmem>> -> memref<1x128xi32, #tpu.memory_space<vmem>>
      %dma_wait3A_93 = tpu.memref_squeeze %dma_wait3A_92 : memref<1x128xi32, #tpu.memory_space<vmem>> -> memref<128xi32, #tpu.memory_space<vmem>>
      %dma_wait3A_94 = arith.constant 0 : i32
      %dma_wait3A_95 = arith.constant 0 : i32
      %dma_wait3A_96 = tpu.memref_slice %arg2[%add3A_12, %dma_wait3A_94, %dma_wait3A_95] : memref<4x10000x96xf32, #tpu.memory_space<hbm>> -> memref<1x10000x96xf32, #tpu.memory_space<hbm>>
      %dma_wait3A_97 = tpu.memref_squeeze %dma_wait3A_96 : memref<1x10000x96xf32, #tpu.memory_space<hbm>> -> memref<10000x96xf32, #tpu.memory_space<hbm>>
      %dma_wait3A_98 = arith.constant 0 : i32
      %dma_wait3A_99 = arith.constant 0 : i32
      %dma_wait3A_100 = tpu.memref_slice %dma_wait3A_97[%dma_wait3A_98, %dma_wait3A_99] : memref<10000x96xf32, #tpu.memory_space<hbm>> -> memref<10000x96xf32, #tpu.memory_space<hbm>>
      tpu.wait_indirect_dma semaphore(%arg16 : memref<!tpu.dma_semaphore, #tpu.memory_space<semaphore_mem>>) src(%dma_wait3A_100 : memref<10000x96xf32, #tpu.memory_space<hbm>>) dst(%arg13 : memref<128x96xf32, #tpu.memory_space<vmem>>)
      %add3A_101 = arith.constant 1 : i32
      %add3A_102 = arith.addi %scan3A_60, %add3A_101 : i32
      %lt3A = arith.constant 79 : i32
      %lt3A_103 = arith.cmpi slt, %add3A_102, %lt3A : i32
      %convert_element_type3A_104 = arith.extui %lt3A_103 : i1 to i32
      %cond3A_105 = arith.constant 0 : i32
      %cond3A_106 = arith.cmpi ne, %convert_element_type3A_104, %cond3A_105 : i32
      scf.if %cond3A_106 {
        %add3A_114 = arith.constant 2 : i32
        %add3A_115 = arith.addi %mul3A_62, %add3A_114 : i32
        %dma_start3A_116 = arith.constant 0 : i32
        %dma_start3A_117 = tpu.memref_slice %arg10[%add3A_115, %dma_start3A_116] : memref<158x128xi32, #tpu.memory_space<vmem>> -> memref<1x128xi32, #tpu.memory_space<vmem>>
        %dma_start3A_118 = tpu.memref_squeeze %dma_start3A_117 : memref<1x128xi32, #tpu.memory_space<vmem>> -> memref<128xi32, #tpu.memory_space<vmem>>
        %dma_start3A_119 = arith.constant 0 : i32
        %dma_start3A_120 = arith.constant 0 : i32
        %dma_start3A_121 = tpu.memref_slice %arg2[%add3A_12, %dma_start3A_119, %dma_start3A_120] : memref<4x10000x96xf32, #tpu.memory_space<hbm>> -> memref<1x10000x96xf32, #tpu.memory_space<hbm>>
        %dma_start3A_122 = tpu.memref_squeeze %dma_start3A_121 : memref<1x10000x96xf32, #tpu.memory_space<hbm>> -> memref<10000x96xf32, #tpu.memory_space<hbm>>
        %dma_start3A_123 = arith.constant 0 : i32
        %dma_start3A_124 = arith.constant 0 : i32
        %dma_start3A_125 = tpu.memref_slice %dma_start3A_122[%dma_start3A_123, %dma_start3A_124] : memref<10000x96xf32, #tpu.memory_space<hbm>> -> memref<10000x96xf32, #tpu.memory_space<hbm>>
        tpu.enqueue_indirect_dma source(%dma_start3A_125 : memref<10000x96xf32, #tpu.memory_space<hbm>>) target(%arg12 : memref<128x96xf32, #tpu.memory_space<vmem>>) offsets(%dma_start3A_118 : memref<128xi32, #tpu.memory_space<vmem>>) semaphore(%arg15 : memref<!tpu.dma_semaphore, #tpu.memory_space<semaphore_mem>>)
      } else {
      }
      %add3A_107 = arith.constant 1 : i32
      %add3A_108 = arith.addi %mul3A_62, %add3A_107 : i32
      "tpu.region"() ({
        %run_scoped3A = tpu.sem_alloc : memref<!tpu.dma_semaphore, #tpu.memory_space<semaphore_mem>>
        %dma_start3A_114 = arith.constant 0 : i32
        %dma_start3A_115 = tpu.memref_slice %arg11[%add3A_108, %dma_start3A_114] : memref<158x128xi32, #tpu.memory_space<vmem>> -> memref<1x128xi32, #tpu.memory_space<vmem>>
        %dma_start3A_116 = tpu.memref_squeeze %dma_start3A_115 : memref<1x128xi32, #tpu.memory_space<vmem>> -> memref<128xi32, #tpu.memory_space<vmem>>
        %dma_start3A_117 = arith.constant 0 : i32
        %dma_start3A_118 = arith.constant 0 : i32
        %dma_start3A_119 = tpu.memref_slice %arg14[%dma_start3A_117, %dma_start3A_118] : memref<10112x96xf32, #tpu.memory_space<vmem_shared>> -> memref<10112x96xf32, #tpu.memory_space<vmem_shared>>
        tpu.enqueue_indirect_dma source(%arg13 : memref<128x96xf32, #tpu.memory_space<vmem>>) target(%dma_start3A_119 : memref<10112x96xf32, #tpu.memory_space<vmem_shared>>) offsets(%dma_start3A_116 : memref<128xi32, #tpu.memory_space<vmem>>) semaphore(%run_scoped3A : memref<!tpu.dma_semaphore, #tpu.memory_space<semaphore_mem>>) {add = true}
        %dma_wait3A_120 = arith.constant 0 : i32
        %dma_wait3A_121 = tpu.memref_slice %arg11[%add3A_108, %dma_wait3A_120] : memref<158x128xi32, #tpu.memory_space<vmem>> -> memref<1x128xi32, #tpu.memory_space<vmem>>
        %dma_wait3A_122 = tpu.memref_squeeze %dma_wait3A_121 : memref<1x128xi32, #tpu.memory_space<vmem>> -> memref<128xi32, #tpu.memory_space<vmem>>
        %dma_wait3A_123 = arith.constant 0 : i32
        %dma_wait3A_124 = arith.constant 0 : i32
        %dma_wait3A_125 = tpu.memref_slice %arg14[%dma_wait3A_123, %dma_wait3A_124] : memref<10112x96xf32, #tpu.memory_space<vmem_shared>> -> memref<10112x96xf32, #tpu.memory_space<vmem_shared>>
        tpu.wait_indirect_dma semaphore(%run_scoped3A : memref<!tpu.dma_semaphore, #tpu.memory_space<semaphore_mem>>) src(%arg13 : memref<128x96xf32, #tpu.memory_space<vmem>>) dst(%dma_wait3A_125 : memref<10112x96xf32, #tpu.memory_space<vmem_shared>>)
        tpu.yield
      }) : () -> ()
      %eq3A_109 = arith.constant 0 : i32
      %eq3A_110 = arith.cmpi eq, %arg0, %eq3A_109 : i32
      %convert_element_type3A_111 = arith.extui %eq3A_110 : i1 to i32
      %cond3A_112 = arith.constant 0 : i32
      %cond3A_113 = arith.cmpi ne, %convert_element_type3A_111, %cond3A_112 : i32
      scf.if %cond3A_113 {
        %add3A_114 = arith.constant 1 : i32
        %add3A_115 = arith.addi %mul3A_62, %add3A_114 : i32
        "tpu.region"() ({
          %run_scoped3A = tpu.sem_alloc : memref<!tpu.dma_semaphore, #tpu.memory_space<semaphore_mem>>
          %dma_start3A_116 = arith.constant 0 : i32
          %dma_start3A_117 = tpu.memref_slice %arg11[%add3A_115, %dma_start3A_116] : memref<158x128xi32, #tpu.memory_space<vmem>> -> memref<1x128xi32, #tpu.memory_space<vmem>>
          %dma_start3A_118 = tpu.memref_squeeze %dma_start3A_117 : memref<1x128xi32, #tpu.memory_space<vmem>> -> memref<128xi32, #tpu.memory_space<vmem>>
          %dma_start3A_119 = arith.constant 0 : i32
          %dma_start3A_120 = tpu.memref_slice %arg18[%dma_start3A_119] : memref<10112xf32, #tpu.memory_space<vmem_shared>> -> memref<10112xf32, #tpu.memory_space<vmem_shared>>
          tpu.enqueue_indirect_dma source(%arg17 : memref<128xf32, #tpu.memory_space<vmem>>) target(%dma_start3A_120 : memref<10112xf32, #tpu.memory_space<vmem_shared>>) offsets(%dma_start3A_118 : memref<128xi32, #tpu.memory_space<vmem>>) semaphore(%run_scoped3A : memref<!tpu.dma_semaphore, #tpu.memory_space<semaphore_mem>>) {add = true}
          %dma_wait3A_121 = arith.constant 0 : i32
          %dma_wait3A_122 = tpu.memref_slice %arg11[%add3A_115, %dma_wait3A_121] : memref<158x128xi32, #tpu.memory_space<vmem>> -> memref<1x128xi32, #tpu.memory_space<vmem>>
          %dma_wait3A_123 = tpu.memref_squeeze %dma_wait3A_122 : memref<1x128xi32, #tpu.memory_space<vmem>> -> memref<128xi32, #tpu.memory_space<vmem>>
          %dma_wait3A_124 = arith.constant 0 : i32
          %dma_wait3A_125 = tpu.memref_slice %arg18[%dma_wait3A_124] : memref<10112xf32, #tpu.memory_space<vmem_shared>> -> memref<10112xf32, #tpu.memory_space<vmem_shared>>
          tpu.wait_indirect_dma semaphore(%run_scoped3A : memref<!tpu.dma_semaphore, #tpu.memory_space<semaphore_mem>>) src(%arg17 : memref<128xf32, #tpu.memory_space<vmem>>) dst(%dma_wait3A_125 : memref<10112xf32, #tpu.memory_space<vmem_shared>>)
          tpu.yield
        }) : () -> ()
      } else {
      }
    }
    %scan3A_27 = arith.constant 79 : i32
    %barrier3A_28 = arith.constant 0 : index
    tpu.barrier barrier_id(%barrier3A_28)
    "tpu.region"() ({
      %run_scoped3A = tpu.sem_alloc : memref<!tpu.dma_semaphore, #tpu.memory_space<semaphore_mem>>
      %dma_start3A_60 = arith.constant 0 : i32
      %dma_start3A_61 = arith.constant 0 : i32
      %dma_start3A_62 = tpu.memref_slice %arg8[%add3A_12, %dma_start3A_60, %dma_start3A_61] : memref<4x10112x96xf32, #tpu.memory_space<hbm>> -> memref<1x10112x96xf32, #tpu.memory_space<hbm>>
      %dma_start3A_63 = tpu.memref_squeeze %dma_start3A_62 : memref<1x10112x96xf32, #tpu.memory_space<hbm>> -> memref<10112x96xf32, #tpu.memory_space<hbm>>
      %dma_start3A_64 = arith.constant 0 : i32
      %dma_start3A_65 = tpu.memref_slice %dma_start3A_63[%mul3A_0, %dma_start3A_64] : memref<10112x96xf32, #tpu.memory_space<hbm>> -> memref<632x96xf32, #tpu.memory_space<hbm>>
      %dma_start3A_66 = arith.constant 0 : i32
      %dma_start3A_67 = tpu.memref_slice %arg14[%mul3A_0, %dma_start3A_66] : memref<10112x96xf32, #tpu.memory_space<vmem_shared>> -> memref<632x96xf32, #tpu.memory_space<vmem_shared>>
      tpu.enqueue_dma source(%dma_start3A_67 : memref<632x96xf32, #tpu.memory_space<vmem_shared>>) target(%dma_start3A_65 : memref<632x96xf32, #tpu.memory_space<hbm>>) target_semaphore(%run_scoped3A : memref<!tpu.dma_semaphore, #tpu.memory_space<semaphore_mem>>)
      %dma_wait3A = arith.constant 0 : i32
      %dma_wait3A_68 = arith.constant 0 : i32
      %dma_wait3A_69 = tpu.memref_slice %arg8[%add3A_12, %dma_wait3A, %dma_wait3A_68] : memref<4x10112x96xf32, #tpu.memory_space<hbm>> -> memref<1x10112x96xf32, #tpu.memory_space<hbm>>
      %dma_wait3A_70 = tpu.memref_squeeze %dma_wait3A_69 : memref<1x10112x96xf32, #tpu.memory_space<hbm>> -> memref<10112x96xf32, #tpu.memory_space<hbm>>
      %dma_wait3A_71 = arith.constant 0 : i32
      %dma_wait3A_72 = tpu.memref_slice %dma_wait3A_70[%mul3A_0, %dma_wait3A_71] : memref<10112x96xf32, #tpu.memory_space<hbm>> -> memref<632x96xf32, #tpu.memory_space<hbm>>
      %dma_wait3A_73 = arith.constant 0 : i32
      %dma_wait3A_74 = tpu.memref_slice %arg14[%mul3A_0, %dma_wait3A_73] : memref<10112x96xf32, #tpu.memory_space<vmem_shared>> -> memref<632x96xf32, #tpu.memory_space<vmem_shared>>
      tpu.wait_dma2 semaphore(%run_scoped3A : memref<!tpu.dma_semaphore, #tpu.memory_space<semaphore_mem>>) src(%dma_wait3A_74 : memref<632x96xf32, #tpu.memory_space<vmem_shared>>) dst(%dma_wait3A_72 : memref<632x96xf32, #tpu.memory_space<hbm>>)
      tpu.yield
    }) : () -> ()
    %eq3A_29 = arith.constant 0 : i32
    %eq3A_30 = arith.cmpi eq, %arg0, %eq3A_29 : i32
    %eq3A_31 = arith.constant 0 : i32
    %eq3A_32 = arith.cmpi eq, %arg1, %eq3A_31 : i32
    %and3A_33 = arith.andi %eq3A_30, %eq3A_32 : i1
    %convert_element_type3A_34 = arith.extui %and3A_33 : i1 to i32
    %cond3A_35 = arith.constant 0 : i32
    %cond3A_36 = arith.cmpi ne, %convert_element_type3A_34, %cond3A_35 : i32
    scf.if %cond3A_36 {
      "tpu.region"() ({
        %run_scoped3A = tpu.sem_alloc : memref<!tpu.dma_semaphore, #tpu.memory_space<semaphore_mem>>
        tpu.enqueue_dma source(%arg18 : memref<10112xf32, #tpu.memory_space<vmem_shared>>) target(%arg9 : memref<10112xf32, #tpu.memory_space<hbm>>) target_semaphore(%run_scoped3A : memref<!tpu.dma_semaphore, #tpu.memory_space<semaphore_mem>>)
        tpu.wait_dma2 semaphore(%run_scoped3A : memref<!tpu.dma_semaphore, #tpu.memory_space<semaphore_mem>>) src(%arg18 : memref<10112xf32, #tpu.memory_space<vmem_shared>>) dst(%arg9 : memref<10112xf32, #tpu.memory_space<hbm>>)
        tpu.yield
      }) : () -> ()
    } else {
    }
    %mul3A_37 = arith.constant 2 : i32
    %mul3A_38 = arith.muli %arg0, %mul3A_37 : i32
    %add3A_39 = arith.constant 1 : i32
    %add3A_40 = arith.addi %mul3A_38, %add3A_39 : i32
    %dma_start3A_41 = arith.constant 0 : i32
    %dma_start3A_42 = arith.constant 0 : i32
    %dma_start3A_43 = tpu.memref_slice %arg10[%dma_start3A_41, %dma_start3A_42] : memref<158x128xi32, #tpu.memory_space<vmem>> -> memref<1x128xi32, #tpu.memory_space<vmem>>
    %dma_start3A_44 = tpu.memref_squeeze %dma_start3A_43 : memref<1x128xi32, #tpu.memory_space<vmem>> -> memref<128xi32, #tpu.memory_space<vmem>>
    %dma_start3A_45 = arith.constant 0 : i32
    %dma_start3A_46 = arith.constant 0 : i32
    %dma_start3A_47 = tpu.memref_slice %arg2[%add3A_40, %dma_start3A_45, %dma_start3A_46] : memref<4x10000x96xf32, #tpu.memory_space<hbm>> -> memref<1x10000x96xf32, #tpu.memory_space<hbm>>
    %dma_start3A_48 = tpu.memref_squeeze %dma_start3A_47 : memref<1x10000x96xf32, #tpu.memory_space<hbm>> -> memref<10000x96xf32, #tpu.memory_space<hbm>>
    %dma_start3A_49 = arith.constant 0 : i32
    %dma_start3A_50 = arith.constant 0 : i32
    %dma_start3A_51 = tpu.memref_slice %dma_start3A_48[%dma_start3A_49, %dma_start3A_50] : memref<10000x96xf32, #tpu.memory_space<hbm>> -> memref<10000x96xf32, #tpu.memory_space<hbm>>
    tpu.enqueue_indirect_dma source(%dma_start3A_51 : memref<10000x96xf32, #tpu.memory_space<hbm>>) target(%arg12 : memref<128x96xf32, #tpu.memory_space<vmem>>) offsets(%dma_start3A_44 : memref<128xi32, #tpu.memory_space<vmem>>) semaphore(%arg15 : memref<!tpu.dma_semaphore, #tpu.memory_space<semaphore_mem>>)
    "tpu.region"() ({
      %run_scoped3A = tpu.sem_alloc : memref<!tpu.dma_semaphore, #tpu.memory_space<semaphore_mem>>
      %dma_start3A_60 = arith.constant 0 : i32
      %dma_start3A_61 = tpu.memref_slice %arg14[%mul3A_0, %dma_start3A_60] : memref<10112x96xf32, #tpu.memory_space<vmem_shared>> -> memref<632x96xf32, #tpu.memory_space<vmem_shared>>
      %dma_start3A_62 = arith.constant 0 : i32
      %dma_start3A_63 = tpu.memref_slice %arg5[%mul3A_0, %dma_start3A_62] : memref<10112x96xf32, #tpu.memory_space<hbm>> -> memref<632x96xf32, #tpu.memory_space<hbm>>
      tpu.enqueue_dma source(%dma_start3A_63 : memref<632x96xf32, #tpu.memory_space<hbm>>) target(%dma_start3A_61 : memref<632x96xf32, #tpu.memory_space<vmem_shared>>) target_semaphore(%run_scoped3A : memref<!tpu.dma_semaphore, #tpu.memory_space<semaphore_mem>>)
      %dma_wait3A = arith.constant 0 : i32
      %dma_wait3A_64 = tpu.memref_slice %arg14[%mul3A_0, %dma_wait3A] : memref<10112x96xf32, #tpu.memory_space<vmem_shared>> -> memref<632x96xf32, #tpu.memory_space<vmem_shared>>
      %dma_wait3A_65 = arith.constant 0 : i32
      %dma_wait3A_66 = tpu.memref_slice %arg5[%mul3A_0, %dma_wait3A_65] : memref<10112x96xf32, #tpu.memory_space<hbm>> -> memref<632x96xf32, #tpu.memory_space<hbm>>
      tpu.wait_dma2 semaphore(%run_scoped3A : memref<!tpu.dma_semaphore, #tpu.memory_space<semaphore_mem>>) src(%dma_wait3A_66 : memref<632x96xf32, #tpu.memory_space<hbm>>) dst(%dma_wait3A_64 : memref<632x96xf32, #tpu.memory_space<vmem_shared>>)
      tpu.yield
    }) : () -> ()
    %barrier3A_52 = arith.constant 0 : index
    tpu.barrier barrier_id(%barrier3A_52)
    %scan3A_53 = arith.constant 0 : i32
    %scan3A_54 = arith.constant 0 : i32
    %scan3A_55 = arith.constant 79 : i32
    %scan3A_56 = arith.addi %scan3A_54, %scan3A_55 : i32
    %scan3A_57 = arith.constant 1 : i32
    scf.for %scan3A_60 = %scan3A_54 to %scan3A_56 step %scan3A_57  : i32 {
      %mul3A_61 = arith.constant 2 : i32
      %mul3A_62 = arith.muli %mul3A_61, %scan3A_60 : i32
      %dma_wait3A = arith.constant 0 : i32
      %dma_wait3A_63 = tpu.memref_slice %arg10[%mul3A_62, %dma_wait3A] : memref<158x128xi32, #tpu.memory_space<vmem>> -> memref<1x128xi32, #tpu.memory_space<vmem>>
      %dma_wait3A_64 = tpu.memref_squeeze %dma_wait3A_63 : memref<1x128xi32, #tpu.memory_space<vmem>> -> memref<128xi32, #tpu.memory_space<vmem>>
      %dma_wait3A_65 = arith.constant 0 : i32
      %dma_wait3A_66 = arith.constant 0 : i32
      %dma_wait3A_67 = tpu.memref_slice %arg2[%add3A_40, %dma_wait3A_65, %dma_wait3A_66] : memref<4x10000x96xf32, #tpu.memory_space<hbm>> -> memref<1x10000x96xf32, #tpu.memory_space<hbm>>
      %dma_wait3A_68 = tpu.memref_squeeze %dma_wait3A_67 : memref<1x10000x96xf32, #tpu.memory_space<hbm>> -> memref<10000x96xf32, #tpu.memory_space<hbm>>
      %dma_wait3A_69 = arith.constant 0 : i32
      %dma_wait3A_70 = arith.constant 0 : i32
      %dma_wait3A_71 = tpu.memref_slice %dma_wait3A_68[%dma_wait3A_69, %dma_wait3A_70] : memref<10000x96xf32, #tpu.memory_space<hbm>> -> memref<10000x96xf32, #tpu.memory_space<hbm>>
      tpu.wait_indirect_dma semaphore(%arg15 : memref<!tpu.dma_semaphore, #tpu.memory_space<semaphore_mem>>) src(%dma_wait3A_71 : memref<10000x96xf32, #tpu.memory_space<hbm>>) dst(%arg12 : memref<128x96xf32, #tpu.memory_space<vmem>>)
      %add3A_72 = arith.constant 1 : i32
      %add3A_73 = arith.addi %mul3A_62, %add3A_72 : i32
      %dma_start3A_74 = arith.constant 0 : i32
      %dma_start3A_75 = tpu.memref_slice %arg10[%add3A_73, %dma_start3A_74] : memref<158x128xi32, #tpu.memory_space<vmem>> -> memref<1x128xi32, #tpu.memory_space<vmem>>
      %dma_start3A_76 = tpu.memref_squeeze %dma_start3A_75 : memref<1x128xi32, #tpu.memory_space<vmem>> -> memref<128xi32, #tpu.memory_space<vmem>>
      %dma_start3A_77 = arith.constant 0 : i32
      %dma_start3A_78 = arith.constant 0 : i32
      %dma_start3A_79 = tpu.memref_slice %arg2[%add3A_40, %dma_start3A_77, %dma_start3A_78] : memref<4x10000x96xf32, #tpu.memory_space<hbm>> -> memref<1x10000x96xf32, #tpu.memory_space<hbm>>
      %dma_start3A_80 = tpu.memref_squeeze %dma_start3A_79 : memref<1x10000x96xf32, #tpu.memory_space<hbm>> -> memref<10000x96xf32, #tpu.memory_space<hbm>>
      %dma_start3A_81 = arith.constant 0 : i32
      %dma_start3A_82 = arith.constant 0 : i32
      %dma_start3A_83 = tpu.memref_slice %dma_start3A_80[%dma_start3A_81, %dma_start3A_82] : memref<10000x96xf32, #tpu.memory_space<hbm>> -> memref<10000x96xf32, #tpu.memory_space<hbm>>
      tpu.enqueue_indirect_dma source(%dma_start3A_83 : memref<10000x96xf32, #tpu.memory_space<hbm>>) target(%arg13 : memref<128x96xf32, #tpu.memory_space<vmem>>) offsets(%dma_start3A_76 : memref<128xi32, #tpu.memory_space<vmem>>) semaphore(%arg16 : memref<!tpu.dma_semaphore, #tpu.memory_space<semaphore_mem>>)
      "tpu.region"() ({
        %run_scoped3A = tpu.sem_alloc : memref<!tpu.dma_semaphore, #tpu.memory_space<semaphore_mem>>
        %dma_start3A_104 = arith.constant 0 : i32
        %dma_start3A_105 = tpu.memref_slice %arg11[%mul3A_62, %dma_start3A_104] : memref<158x128xi32, #tpu.memory_space<vmem>> -> memref<1x128xi32, #tpu.memory_space<vmem>>
        %dma_start3A_106 = tpu.memref_squeeze %dma_start3A_105 : memref<1x128xi32, #tpu.memory_space<vmem>> -> memref<128xi32, #tpu.memory_space<vmem>>
        %dma_start3A_107 = arith.constant 0 : i32
        %dma_start3A_108 = arith.constant 0 : i32
        %dma_start3A_109 = tpu.memref_slice %arg14[%dma_start3A_107, %dma_start3A_108] : memref<10112x96xf32, #tpu.memory_space<vmem_shared>> -> memref<10112x96xf32, #tpu.memory_space<vmem_shared>>
        tpu.enqueue_indirect_dma source(%arg12 : memref<128x96xf32, #tpu.memory_space<vmem>>) target(%dma_start3A_109 : memref<10112x96xf32, #tpu.memory_space<vmem_shared>>) offsets(%dma_start3A_106 : memref<128xi32, #tpu.memory_space<vmem>>) semaphore(%run_scoped3A : memref<!tpu.dma_semaphore, #tpu.memory_space<semaphore_mem>>) {add = true}
        %dma_wait3A_110 = arith.constant 0 : i32
        %dma_wait3A_111 = tpu.memref_slice %arg11[%mul3A_62, %dma_wait3A_110] : memref<158x128xi32, #tpu.memory_space<vmem>> -> memref<1x128xi32, #tpu.memory_space<vmem>>
        %dma_wait3A_112 = tpu.memref_squeeze %dma_wait3A_111 : memref<1x128xi32, #tpu.memory_space<vmem>> -> memref<128xi32, #tpu.memory_space<vmem>>
        %dma_wait3A_113 = arith.constant 0 : i32
        %dma_wait3A_114 = arith.constant 0 : i32
        %dma_wait3A_115 = tpu.memref_slice %arg14[%dma_wait3A_113, %dma_wait3A_114] : memref<10112x96xf32, #tpu.memory_space<vmem_shared>> -> memref<10112x96xf32, #tpu.memory_space<vmem_shared>>
        tpu.wait_indirect_dma semaphore(%run_scoped3A : memref<!tpu.dma_semaphore, #tpu.memory_space<semaphore_mem>>) src(%arg12 : memref<128x96xf32, #tpu.memory_space<vmem>>) dst(%dma_wait3A_115 : memref<10112x96xf32, #tpu.memory_space<vmem_shared>>)
        tpu.yield
      }) : () -> ()
      %add3A_84 = arith.constant 1 : i32
      %add3A_85 = arith.addi %mul3A_62, %add3A_84 : i32
      %dma_wait3A_86 = arith.constant 0 : i32
      %dma_wait3A_87 = tpu.memref_slice %arg10[%add3A_85, %dma_wait3A_86] : memref<158x128xi32, #tpu.memory_space<vmem>> -> memref<1x128xi32, #tpu.memory_space<vmem>>
      %dma_wait3A_88 = tpu.memref_squeeze %dma_wait3A_87 : memref<1x128xi32, #tpu.memory_space<vmem>> -> memref<128xi32, #tpu.memory_space<vmem>>
      %dma_wait3A_89 = arith.constant 0 : i32
      %dma_wait3A_90 = arith.constant 0 : i32
      %dma_wait3A_91 = tpu.memref_slice %arg2[%add3A_40, %dma_wait3A_89, %dma_wait3A_90] : memref<4x10000x96xf32, #tpu.memory_space<hbm>> -> memref<1x10000x96xf32, #tpu.memory_space<hbm>>
      %dma_wait3A_92 = tpu.memref_squeeze %dma_wait3A_91 : memref<1x10000x96xf32, #tpu.memory_space<hbm>> -> memref<10000x96xf32, #tpu.memory_space<hbm>>
      %dma_wait3A_93 = arith.constant 0 : i32
      %dma_wait3A_94 = arith.constant 0 : i32
      %dma_wait3A_95 = tpu.memref_slice %dma_wait3A_92[%dma_wait3A_93, %dma_wait3A_94] : memref<10000x96xf32, #tpu.memory_space<hbm>> -> memref<10000x96xf32, #tpu.memory_space<hbm>>
      tpu.wait_indirect_dma semaphore(%arg16 : memref<!tpu.dma_semaphore, #tpu.memory_space<semaphore_mem>>) src(%dma_wait3A_95 : memref<10000x96xf32, #tpu.memory_space<hbm>>) dst(%arg13 : memref<128x96xf32, #tpu.memory_space<vmem>>)
      %add3A_96 = arith.constant 1 : i32
      %add3A_97 = arith.addi %scan3A_60, %add3A_96 : i32
      %lt3A = arith.constant 79 : i32
      %lt3A_98 = arith.cmpi slt, %add3A_97, %lt3A : i32
      %convert_element_type3A_99 = arith.extui %lt3A_98 : i1 to i32
      %cond3A_100 = arith.constant 0 : i32
      %cond3A_101 = arith.cmpi ne, %convert_element_type3A_99, %cond3A_100 : i32
      scf.if %cond3A_101 {
        %add3A_104 = arith.constant 2 : i32
        %add3A_105 = arith.addi %mul3A_62, %add3A_104 : i32
        %dma_start3A_106 = arith.constant 0 : i32
        %dma_start3A_107 = tpu.memref_slice %arg10[%add3A_105, %dma_start3A_106] : memref<158x128xi32, #tpu.memory_space<vmem>> -> memref<1x128xi32, #tpu.memory_space<vmem>>
        %dma_start3A_108 = tpu.memref_squeeze %dma_start3A_107 : memref<1x128xi32, #tpu.memory_space<vmem>> -> memref<128xi32, #tpu.memory_space<vmem>>
        %dma_start3A_109 = arith.constant 0 : i32
        %dma_start3A_110 = arith.constant 0 : i32
        %dma_start3A_111 = tpu.memref_slice %arg2[%add3A_40, %dma_start3A_109, %dma_start3A_110] : memref<4x10000x96xf32, #tpu.memory_space<hbm>> -> memref<1x10000x96xf32, #tpu.memory_space<hbm>>
        %dma_start3A_112 = tpu.memref_squeeze %dma_start3A_111 : memref<1x10000x96xf32, #tpu.memory_space<hbm>> -> memref<10000x96xf32, #tpu.memory_space<hbm>>
        %dma_start3A_113 = arith.constant 0 : i32
        %dma_start3A_114 = arith.constant 0 : i32
        %dma_start3A_115 = tpu.memref_slice %dma_start3A_112[%dma_start3A_113, %dma_start3A_114] : memref<10000x96xf32, #tpu.memory_space<hbm>> -> memref<10000x96xf32, #tpu.memory_space<hbm>>
        tpu.enqueue_indirect_dma source(%dma_start3A_115 : memref<10000x96xf32, #tpu.memory_space<hbm>>) target(%arg12 : memref<128x96xf32, #tpu.memory_space<vmem>>) offsets(%dma_start3A_108 : memref<128xi32, #tpu.memory_space<vmem>>) semaphore(%arg15 : memref<!tpu.dma_semaphore, #tpu.memory_space<semaphore_mem>>)
      } else {
      }
      %add3A_102 = arith.constant 1 : i32
      %add3A_103 = arith.addi %mul3A_62, %add3A_102 : i32
      "tpu.region"() ({
        %run_scoped3A = tpu.sem_alloc : memref<!tpu.dma_semaphore, #tpu.memory_space<semaphore_mem>>
        %dma_start3A_104 = arith.constant 0 : i32
        %dma_start3A_105 = tpu.memref_slice %arg11[%add3A_103, %dma_start3A_104] : memref<158x128xi32, #tpu.memory_space<vmem>> -> memref<1x128xi32, #tpu.memory_space<vmem>>
        %dma_start3A_106 = tpu.memref_squeeze %dma_start3A_105 : memref<1x128xi32, #tpu.memory_space<vmem>> -> memref<128xi32, #tpu.memory_space<vmem>>
        %dma_start3A_107 = arith.constant 0 : i32
        %dma_start3A_108 = arith.constant 0 : i32
        %dma_start3A_109 = tpu.memref_slice %arg14[%dma_start3A_107, %dma_start3A_108] : memref<10112x96xf32, #tpu.memory_space<vmem_shared>> -> memref<10112x96xf32, #tpu.memory_space<vmem_shared>>
        tpu.enqueue_indirect_dma source(%arg13 : memref<128x96xf32, #tpu.memory_space<vmem>>) target(%dma_start3A_109 : memref<10112x96xf32, #tpu.memory_space<vmem_shared>>) offsets(%dma_start3A_106 : memref<128xi32, #tpu.memory_space<vmem>>) semaphore(%run_scoped3A : memref<!tpu.dma_semaphore, #tpu.memory_space<semaphore_mem>>) {add = true}
        %dma_wait3A_110 = arith.constant 0 : i32
        %dma_wait3A_111 = tpu.memref_slice %arg11[%add3A_103, %dma_wait3A_110] : memref<158x128xi32, #tpu.memory_space<vmem>> -> memref<1x128xi32, #tpu.memory_space<vmem>>
        %dma_wait3A_112 = tpu.memref_squeeze %dma_wait3A_111 : memref<1x128xi32, #tpu.memory_space<vmem>> -> memref<128xi32, #tpu.memory_space<vmem>>
        %dma_wait3A_113 = arith.constant 0 : i32
        %dma_wait3A_114 = arith.constant 0 : i32
        %dma_wait3A_115 = tpu.memref_slice %arg14[%dma_wait3A_113, %dma_wait3A_114] : memref<10112x96xf32, #tpu.memory_space<vmem_shared>> -> memref<10112x96xf32, #tpu.memory_space<vmem_shared>>
        tpu.wait_indirect_dma semaphore(%run_scoped3A : memref<!tpu.dma_semaphore, #tpu.memory_space<semaphore_mem>>) src(%arg13 : memref<128x96xf32, #tpu.memory_space<vmem>>) dst(%dma_wait3A_115 : memref<10112x96xf32, #tpu.memory_space<vmem_shared>>)
        tpu.yield
      }) : () -> ()
    }
    %scan3A_58 = arith.constant 79 : i32
    %barrier3A_59 = arith.constant 0 : index
    tpu.barrier barrier_id(%barrier3A_59)
    "tpu.region"() ({
      %run_scoped3A = tpu.sem_alloc : memref<!tpu.dma_semaphore, #tpu.memory_space<semaphore_mem>>
      %dma_start3A_60 = arith.constant 0 : i32
      %dma_start3A_61 = arith.constant 0 : i32
      %dma_start3A_62 = tpu.memref_slice %arg8[%add3A_40, %dma_start3A_60, %dma_start3A_61] : memref<4x10112x96xf32, #tpu.memory_space<hbm>> -> memref<1x10112x96xf32, #tpu.memory_space<hbm>>
      %dma_start3A_63 = tpu.memref_squeeze %dma_start3A_62 : memref<1x10112x96xf32, #tpu.memory_space<hbm>> -> memref<10112x96xf32, #tpu.memory_space<hbm>>
      %dma_start3A_64 = arith.constant 0 : i32
      %dma_start3A_65 = tpu.memref_slice %dma_start3A_63[%mul3A_0, %dma_start3A_64] : memref<10112x96xf32, #tpu.memory_space<hbm>> -> memref<632x96xf32, #tpu.memory_space<hbm>>
      %dma_start3A_66 = arith.constant 0 : i32
      %dma_start3A_67 = tpu.memref_slice %arg14[%mul3A_0, %dma_start3A_66] : memref<10112x96xf32, #tpu.memory_space<vmem_shared>> -> memref<632x96xf32, #tpu.memory_space<vmem_shared>>
      tpu.enqueue_dma source(%dma_start3A_67 : memref<632x96xf32, #tpu.memory_space<vmem_shared>>) target(%dma_start3A_65 : memref<632x96xf32, #tpu.memory_space<hbm>>) target_semaphore(%run_scoped3A : memref<!tpu.dma_semaphore, #tpu.memory_space<semaphore_mem>>)
      %dma_wait3A = arith.constant 0 : i32
      %dma_wait3A_68 = arith.constant 0 : i32
      %dma_wait3A_69 = tpu.memref_slice %arg8[%add3A_40, %dma_wait3A, %dma_wait3A_68] : memref<4x10112x96xf32, #tpu.memory_space<hbm>> -> memref<1x10112x96xf32, #tpu.memory_space<hbm>>
      %dma_wait3A_70 = tpu.memref_squeeze %dma_wait3A_69 : memref<1x10112x96xf32, #tpu.memory_space<hbm>> -> memref<10112x96xf32, #tpu.memory_space<hbm>>
      %dma_wait3A_71 = arith.constant 0 : i32
      %dma_wait3A_72 = tpu.memref_slice %dma_wait3A_70[%mul3A_0, %dma_wait3A_71] : memref<10112x96xf32, #tpu.memory_space<hbm>> -> memref<632x96xf32, #tpu.memory_space<hbm>>
      %dma_wait3A_73 = arith.constant 0 : i32
      %dma_wait3A_74 = tpu.memref_slice %arg14[%mul3A_0, %dma_wait3A_73] : memref<10112x96xf32, #tpu.memory_space<vmem_shared>> -> memref<632x96xf32, #tpu.memory_space<vmem_shared>>
      tpu.wait_dma2 semaphore(%run_scoped3A : memref<!tpu.dma_semaphore, #tpu.memory_space<semaphore_mem>>) src(%dma_wait3A_74 : memref<632x96xf32, #tpu.memory_space<vmem_shared>>) dst(%dma_wait3A_72 : memref<632x96xf32, #tpu.memory_space<hbm>>)
      tpu.yield
    }) : () -> ()
    return
  }
}

module attributes {stable_mosaic.version = 14 : i64} {
  func.func @_a_body(%arg0: i32, %arg1: memref<400x128xf32, #tpu.memory_space<vmem>>, %arg2: memref<400x128xf32, #tpu.memory_space<vmem>>, %arg3: memref<400x512xf32, #tpu.memory_space<vmem>>, %arg4: memref<128x768xf32, #tpu.memory_space<vmem>>, %arg5: memref<128x768xf32, #tpu.memory_space<vmem>>, %arg6: memref<512x768xf32, #tpu.memory_space<vmem>>, %arg7: memref<1x768xf32, #tpu.memory_space<vmem>>, %arg8: memref<4x400x96xf32, #tpu.memory_space<vmem>>, %arg9: memref<400x256xf32, #tpu.memory_space<vmem>>, %arg10: memref<400x128xf32, #tpu.memory_space<vmem>>) attributes {dimension_semantics = [#tpu.dimension_semantics<arbitrary>], iteration_bounds = array<i64: 25>, scalar_prefetch = 0 : i64, scratch_operands = 0 : i64, tpu.core_type = #tpu.core_type<tc>, window_params = [{transform_indices = @transform_0, window_bounds = array<i64: 400, 128>}, {transform_indices = @transform_1, window_bounds = array<i64: 400, 128>}, {transform_indices = @transform_2, window_bounds = array<i64: 400, 512>}, {pipeline_mode = #tpu.pipeline_mode<synchronous>, transform_indices = @transform_3, window_bounds = array<i64: 128, 768>}, {pipeline_mode = #tpu.pipeline_mode<synchronous>, transform_indices = @transform_4, window_bounds = array<i64: 128, 768>}, {pipeline_mode = #tpu.pipeline_mode<synchronous>, transform_indices = @transform_5, window_bounds = array<i64: 512, 768>}, {pipeline_mode = #tpu.pipeline_mode<synchronous>, transform_indices = @transform_6, window_bounds = array<i64: 1, 768>}, {transform_indices = @transform_7, window_bounds = array<i64: 4, 400, 96>}, {transform_indices = @transform_8, window_bounds = array<i64: 400, 256>}, {transform_indices = @transform_9, window_bounds = array<i64: 400, 128>}]} {
    %get3A = arith.constant 0 : index
    %get3A_0 = arith.constant 0 : index
    %get3A_1 = vector.load %arg1[%get3A, %get3A_0] : memref<400x128xf32, #tpu.memory_space<vmem>>, vector<400x128xf32>
    %get3A_2 = arith.constant 0 : index
    %get3A_3 = arith.constant 0 : index
    %get3A_4 = vector.load %arg4[%get3A_2, %get3A_3] : memref<128x768xf32, #tpu.memory_space<vmem>>, vector<128x768xf32>
    %dot_general3A = arith.constant dense<0.000000e+00> : vector<400x768xf32>
    %dot_general3A_5 = tpu.matmul %get3A_1, %get3A_4, %dot_general3A {dimension_numbers = #tpu.dot_dimension_numbers<[1], [0], [0], [1], [0, 0, 1, 1], [], []>, transpose_lhs_hint = false} : vector<400x128xf32>, vector<128x768xf32>, vector<400x768xf32> -> vector<400x768xf32>
    %get3A_6 = arith.constant 0 : index
    %get3A_7 = arith.constant 0 : index
    %get3A_8 = vector.load %arg2[%get3A_6, %get3A_7] : memref<400x128xf32, #tpu.memory_space<vmem>>, vector<400x128xf32>
    %get3A_9 = arith.constant 0 : index
    %get3A_10 = arith.constant 0 : index
    %get3A_11 = vector.load %arg5[%get3A_9, %get3A_10] : memref<128x768xf32, #tpu.memory_space<vmem>>, vector<128x768xf32>
    %dot_general3A_12 = arith.constant dense<0.000000e+00> : vector<400x768xf32>
    %dot_general3A_13 = tpu.matmul %get3A_8, %get3A_11, %dot_general3A_12 {dimension_numbers = #tpu.dot_dimension_numbers<[1], [0], [0], [1], [0, 0, 1, 1], [], []>, transpose_lhs_hint = false} : vector<400x128xf32>, vector<128x768xf32>, vector<400x768xf32> -> vector<400x768xf32>
    %add3A = arith.addf %dot_general3A_5, %dot_general3A_13 : vector<400x768xf32>
    %get3A_14 = arith.constant 0 : index
    %get3A_15 = arith.constant 0 : index
    %get3A_16 = vector.load %arg3[%get3A_14, %get3A_15] : memref<400x512xf32, #tpu.memory_space<vmem>>, vector<400x512xf32>
    %get3A_17 = arith.constant 0 : index
    %get3A_18 = arith.constant 0 : index
    %get3A_19 = vector.load %arg6[%get3A_17, %get3A_18] : memref<512x768xf32, #tpu.memory_space<vmem>>, vector<512x768xf32>
    %dot_general3A_20 = arith.constant dense<0.000000e+00> : vector<400x768xf32>
    %dot_general3A_21 = tpu.matmul %get3A_16, %get3A_19, %dot_general3A_20 {dimension_numbers = #tpu.dot_dimension_numbers<[1], [0], [0], [1], [0, 0, 1, 1], [], []>, transpose_lhs_hint = false} : vector<400x512xf32>, vector<512x768xf32>, vector<400x768xf32> -> vector<400x768xf32>
    %add3A_22 = arith.addf %add3A, %dot_general3A_21 : vector<400x768xf32>
    %get3A_23 = arith.constant 0 : index
    %get3A_24 = arith.constant 0 : index
    %get3A_25 = vector.load %arg7[%get3A_23, %get3A_24] : memref<1x768xf32, #tpu.memory_space<vmem>>, vector<1x768xf32>
    %add3A_26 = vector.broadcast %get3A_25 : vector<1x768xf32> to vector<400x768xf32>
    %add3A_27 = arith.addf %add3A_22, %add3A_26 : vector<400x768xf32>
    %slice3A = vector.extract_strided_slice %add3A_27 {offsets = [0, 0], sizes = [400, 96], strides = [1, 1]} : vector<400x768xf32> to vector<400x96xf32>
    %swap3A = arith.constant 0 : index
    %swap3A_28 = arith.constant 0 : index
    %swap3A_29 = arith.constant 0 : index
    %swap3A_30 = vector.load %arg8[%swap3A, %swap3A_28, %swap3A_29] : memref<4x400x96xf32, #tpu.memory_space<vmem>>, vector<1x400x96xf32>
    %swap3A_31 = vector.shape_cast %swap3A_30 : vector<1x400x96xf32> to vector<400x96xf32>
    %swap3A_32 = vector.shape_cast %slice3A : vector<400x96xf32> to vector<1x400x96xf32>
    tpu.vector_store %arg8[%swap3A, %swap3A_28, %swap3A_29], %swap3A_32 {strides = array<i32>} : memref<4x400x96xf32, #tpu.memory_space<vmem>>, vector<1x400x96xf32>,
    %slice3A_33 = vector.extract_strided_slice %add3A_27 {offsets = [0, 96], sizes = [400, 96], strides = [1, 1]} : vector<400x768xf32> to vector<400x96xf32>
    %swap3A_34 = arith.constant 1 : index
    %swap3A_35 = arith.constant 0 : index
    %swap3A_36 = arith.constant 0 : index
    %swap3A_37 = vector.load %arg8[%swap3A_34, %swap3A_35, %swap3A_36] : memref<4x400x96xf32, #tpu.memory_space<vmem>>, vector<1x400x96xf32>
    %swap3A_38 = vector.shape_cast %swap3A_37 : vector<1x400x96xf32> to vector<400x96xf32>
    %swap3A_39 = vector.shape_cast %slice3A_33 : vector<400x96xf32> to vector<1x400x96xf32>
    tpu.vector_store %arg8[%swap3A_34, %swap3A_35, %swap3A_36], %swap3A_39 {strides = array<i32>} : memref<4x400x96xf32, #tpu.memory_space<vmem>>, vector<1x400x96xf32>,
    %slice3A_40 = vector.extract_strided_slice %add3A_27 {offsets = [0, 192], sizes = [400, 96], strides = [1, 1]} : vector<400x768xf32> to vector<400x96xf32>
    %swap3A_41 = arith.constant 2 : index
    %swap3A_42 = arith.constant 0 : index
    %swap3A_43 = arith.constant 0 : index
    %swap3A_44 = vector.load %arg8[%swap3A_41, %swap3A_42, %swap3A_43] : memref<4x400x96xf32, #tpu.memory_space<vmem>>, vector<1x400x96xf32>
    %swap3A_45 = vector.shape_cast %swap3A_44 : vector<1x400x96xf32> to vector<400x96xf32>
    %swap3A_46 = vector.shape_cast %slice3A_40 : vector<400x96xf32> to vector<1x400x96xf32>
    tpu.vector_store %arg8[%swap3A_41, %swap3A_42, %swap3A_43], %swap3A_46 {strides = array<i32>} : memref<4x400x96xf32, #tpu.memory_space<vmem>>, vector<1x400x96xf32>,
    %slice3A_47 = vector.extract_strided_slice %add3A_27 {offsets = [0, 288], sizes = [400, 96], strides = [1, 1]} : vector<400x768xf32> to vector<400x96xf32>
    %swap3A_48 = arith.constant 3 : index
    %swap3A_49 = arith.constant 0 : index
    %swap3A_50 = arith.constant 0 : index
    %swap3A_51 = vector.load %arg8[%swap3A_48, %swap3A_49, %swap3A_50] : memref<4x400x96xf32, #tpu.memory_space<vmem>>, vector<1x400x96xf32>
    %swap3A_52 = vector.shape_cast %swap3A_51 : vector<1x400x96xf32> to vector<400x96xf32>
    %swap3A_53 = vector.shape_cast %slice3A_47 : vector<400x96xf32> to vector<1x400x96xf32>
    tpu.vector_store %arg8[%swap3A_48, %swap3A_49, %swap3A_50], %swap3A_53 {strides = array<i32>} : memref<4x400x96xf32, #tpu.memory_space<vmem>>, vector<1x400x96xf32>,
    %slice3A_54 = vector.extract_strided_slice %add3A_27 {offsets = [0, 384], sizes = [400, 256], strides = [1, 1]} : vector<400x768xf32> to vector<400x256xf32>
    %swap3A_55 = arith.constant 0 : index
    %swap3A_56 = arith.constant 0 : index
    %swap3A_57 = vector.load %arg9[%swap3A_55, %swap3A_56] : memref<400x256xf32, #tpu.memory_space<vmem>>, vector<400x256xf32>
    tpu.vector_store %arg9[%swap3A_55, %swap3A_56], %slice3A_54 {strides = array<i32>} : memref<400x256xf32, #tpu.memory_space<vmem>>, vector<400x256xf32>,
    %slice3A_58 = vector.extract_strided_slice %add3A_27 {offsets = [0, 640], sizes = [400, 128], strides = [1, 1]} : vector<400x768xf32> to vector<400x128xf32>
    %swap3A_59 = arith.constant 0 : index
    %swap3A_60 = arith.constant 0 : index
    %swap3A_61 = vector.load %arg10[%swap3A_59, %swap3A_60] : memref<400x128xf32, #tpu.memory_space<vmem>>, vector<400x128xf32>
    tpu.vector_store %arg10[%swap3A_59, %swap3A_60], %slice3A_58 {strides = array<i32>} : memref<400x128xf32, #tpu.memory_space<vmem>>, vector<400x128xf32>,
    return
  }
  func.func @transform_0(%arg0: i32) -> (i32, i32) {
    %c0_i32 = arith.constant 0 : i32
    %c0_i32_0 = arith.constant 0 : i32
    return %arg0, %c0_i32 : i32, i32
  }
  func.func @transform_1(%arg0: i32) -> (i32, i32) {
    %c0_i32 = arith.constant 0 : i32
    %c0_i32_0 = arith.constant 0 : i32
    return %arg0, %c0_i32 : i32, i32
  }
  func.func @transform_2(%arg0: i32) -> (i32, i32) {
    %c0_i32 = arith.constant 0 : i32
    %c0_i32_0 = arith.constant 0 : i32
    return %arg0, %c0_i32 : i32, i32
  }
  func.func @transform_3(%arg0: i32) -> (i32, i32) {
    %c0_i32 = arith.constant 0 : i32
    %c0_i32_0 = arith.constant 0 : i32
    %c0_i32_1 = arith.constant 0 : i32
    return %c0_i32, %c0_i32_0 : i32, i32
  }
  func.func @transform_4(%arg0: i32) -> (i32, i32) {
    %c0_i32 = arith.constant 0 : i32
    %c0_i32_0 = arith.constant 0 : i32
    %c0_i32_1 = arith.constant 0 : i32
    return %c0_i32, %c0_i32_0 : i32, i32
  }
  func.func @transform_5(%arg0: i32) -> (i32, i32) {
    %c0_i32 = arith.constant 0 : i32
    %c0_i32_0 = arith.constant 0 : i32
    %c0_i32_1 = arith.constant 0 : i32
    return %c0_i32, %c0_i32_0 : i32, i32
  }
  func.func @transform_6(%arg0: i32) -> (i32, i32) {
    %c0_i32 = arith.constant 0 : i32
    %c0_i32_0 = arith.constant 0 : i32
    %c0_i32_1 = arith.constant 0 : i32
    return %c0_i32, %c0_i32_0 : i32, i32
  }
  func.func @transform_7(%arg0: i32) -> (i32, i32, i32) {
    %c0_i32 = arith.constant 0 : i32
    %c0_i32_0 = arith.constant 0 : i32
    %c0_i32_1 = arith.constant 0 : i32
    return %c0_i32, %arg0, %c0_i32_0 : i32, i32, i32
  }
  func.func @transform_8(%arg0: i32) -> (i32, i32) {
    %c0_i32 = arith.constant 0 : i32
    %c0_i32_0 = arith.constant 0 : i32
    return %arg0, %c0_i32 : i32, i32
  }
  func.func @transform_9(%arg0: i32) -> (i32, i32) {
    %c0_i32 = arith.constant 0 : i32
    %c0_i32_0 = arith.constant 0 : i32
    return %arg0, %c0_i32 : i32, i32
  }
}

module attributes {stable_mosaic.version = 14 : i64} {
  func.func @_b_body(%arg0: i32, %arg1: memref<400x256xf32, #tpu.memory_space<vmem>>, %arg2: memref<4x400x96xf32, #tpu.memory_space<vmem>>, %arg3: memref<400x1xf32, #tpu.memory_space<vmem>>, %arg4: memref<400x128xf32, #tpu.memory_space<vmem>>, %arg5: memref<400x128xf32, #tpu.memory_space<vmem>>, %arg6: memref<128x256xf32, #tpu.memory_space<vmem>>, %arg7: memref<2x400x64xf32, #tpu.memory_space<vmem>>, %arg8: memref<400x128xf32, #tpu.memory_space<vmem>>, %arg9: memref<400x128xf32, #tpu.memory_space<vmem>>) attributes {dimension_semantics = [#tpu.dimension_semantics<arbitrary>], iteration_bounds = array<i64: 25>, scalar_prefetch = 0 : i64, scratch_operands = 0 : i64, tpu.core_type = #tpu.core_type<tc>, window_params = [{transform_indices = @transform_0, window_bounds = array<i64: 400, 256>}, {transform_indices = @transform_1, window_bounds = array<i64: 4, 400, 96>}, {transform_indices = @transform_2, window_bounds = array<i64: 400, 1>}, {transform_indices = @transform_3, window_bounds = array<i64: 400, 128>}, {transform_indices = @transform_4, window_bounds = array<i64: 400, 128>}, {pipeline_mode = #tpu.pipeline_mode<synchronous>, transform_indices = @transform_5, window_bounds = array<i64: 128, 256>}, {transform_indices = @transform_6, window_bounds = array<i64: 2, 400, 64>}, {transform_indices = @transform_7, window_bounds = array<i64: 400, 128>}, {transform_indices = @transform_8, window_bounds = array<i64: 400, 128>}]} {
    %get3A = arith.constant 0 : index
    %get3A_0 = arith.constant 0 : index
    %get3A_1 = vector.load %arg3[%get3A, %get3A_0] : memref<400x1xf32, #tpu.memory_space<vmem>>, vector<400x1xf32>
    %max3A = arith.constant 1.000000e+00 : f32
    %max3A_2 = vector.broadcast %max3A : f32 to vector<400x1xf32>
    %max3A_3 = arith.maximumf %get3A_1, %max3A_2 : vector<400x1xf32>
    %div3A = arith.constant 1.000000e+00 : f32
    %div3A_4 = vector.broadcast %div3A : f32 to vector<400x1xf32>
    %div3A_5 = arith.divf %div3A_4, %max3A_3 : vector<400x1xf32>
    %get3A_6 = arith.constant 0 : index
    %get3A_7 = arith.constant 0 : index
    %get3A_8 = arith.constant 0 : index
    %get3A_9 = vector.load %arg2[%get3A_6, %get3A_7, %get3A_8] : memref<4x400x96xf32, #tpu.memory_space<vmem>>, vector<1x400x96xf32>
    %get3A_10 = vector.shape_cast %get3A_9 : vector<1x400x96xf32> to vector<400x96xf32>
    %get3A_11 = arith.constant 1 : index
    %get3A_12 = arith.constant 0 : index
    %get3A_13 = arith.constant 0 : index
    %get3A_14 = vector.load %arg2[%get3A_11, %get3A_12, %get3A_13] : memref<4x400x96xf32, #tpu.memory_space<vmem>>, vector<1x400x96xf32>
    %get3A_15 = vector.shape_cast %get3A_14 : vector<1x400x96xf32> to vector<400x96xf32>
    %get3A_16 = arith.constant 2 : index
    %get3A_17 = arith.constant 0 : index
    %get3A_18 = arith.constant 0 : index
    %get3A_19 = vector.load %arg2[%get3A_16, %get3A_17, %get3A_18] : memref<4x400x96xf32, #tpu.memory_space<vmem>>, vector<1x400x96xf32>
    %get3A_20 = vector.shape_cast %get3A_19 : vector<1x400x96xf32> to vector<400x96xf32>
    %get3A_21 = arith.constant 3 : index
    %get3A_22 = arith.constant 0 : index
    %get3A_23 = arith.constant 0 : index
    %get3A_24 = vector.load %arg2[%get3A_21, %get3A_22, %get3A_23] : memref<4x400x96xf32, #tpu.memory_space<vmem>>, vector<1x400x96xf32>
    %get3A_25 = vector.shape_cast %get3A_24 : vector<1x400x96xf32> to vector<400x96xf32>
    %concatenate3A = tpu.concatenate %get3A_10, %get3A_15, %get3A_20, %get3A_25 in 1 : vector<400x96xf32>, vector<400x96xf32>, vector<400x96xf32>, vector<400x96xf32> -> vector<400x384xf32>
    %get3A_26 = arith.constant 0 : index
    %get3A_27 = arith.constant 0 : index
    %get3A_28 = vector.load %arg1[%get3A_26, %get3A_27] : memref<400x256xf32, #tpu.memory_space<vmem>>, vector<400x256xf32>
    %slice3A = vector.extract_strided_slice %concatenate3A {offsets = [0, 0], sizes = [400, 256], strides = [1, 1]} : vector<400x384xf32> to vector<400x256xf32>
    %mul3A = vector.broadcast %div3A_5 : vector<400x1xf32> to vector<400x256xf32>
    %mul3A_29 = arith.mulf %slice3A, %mul3A : vector<400x256xf32>
    %add3A = arith.addf %get3A_28, %mul3A_29 : vector<400x256xf32>
    %logistic3A = arith.negf %add3A : vector<400x256xf32>
    %logistic3A_30 = math.exp %logistic3A : vector<400x256xf32>
    %logistic3A_31 = arith.constant 1.000000e+00 : f32
    %logistic3A_32 = vector.broadcast %logistic3A_31 : f32 to vector<400x256xf32>
    %logistic3A_33 = arith.addf %logistic3A_32, %logistic3A_30 : vector<400x256xf32>
    %logistic3A_34 = arith.divf %logistic3A_32, %logistic3A_33 : vector<400x256xf32>
    %slice3A_35 = vector.extract_strided_slice %logistic3A_34 {offsets = [0, 0], sizes = [400, 128], strides = [1, 1]} : vector<400x256xf32> to vector<400x128xf32>
    %slice3A_36 = vector.extract_strided_slice %logistic3A_34 {offsets = [0, 128], sizes = [400, 128], strides = [1, 1]} : vector<400x256xf32> to vector<400x128xf32>
    %get3A_37 = arith.constant 0 : index
    %get3A_38 = arith.constant 0 : index
    %get3A_39 = vector.load %arg4[%get3A_37, %get3A_38] : memref<400x128xf32, #tpu.memory_space<vmem>>, vector<400x128xf32>
    %mul3A_40 = arith.mulf %slice3A_36, %get3A_39 : vector<400x128xf32>
    %get3A_41 = arith.constant 0 : index
    %get3A_42 = arith.constant 0 : index
    %get3A_43 = vector.load %arg6[%get3A_41, %get3A_42] : memref<128x256xf32, #tpu.memory_space<vmem>>, vector<128x256xf32>
    %dot_general3A = arith.constant dense<0.000000e+00> : vector<400x256xf32>
    %dot_general3A_44 = tpu.matmul %mul3A_40, %get3A_43, %dot_general3A {dimension_numbers = #tpu.dot_dimension_numbers<[1], [0], [0], [1], [0, 0, 1, 1], [], []>, transpose_lhs_hint = false} : vector<400x128xf32>, vector<128x256xf32>, vector<400x256xf32> -> vector<400x256xf32>
    %slice3A_45 = vector.extract_strided_slice %dot_general3A_44 {offsets = [0, 0], sizes = [400, 64], strides = [1, 1]} : vector<400x256xf32> to vector<400x64xf32>
    %swap3A = arith.constant 0 : index
    %swap3A_46 = arith.constant 0 : index
    %swap3A_47 = arith.constant 0 : index
    %swap3A_48 = vector.load %arg7[%swap3A, %swap3A_46, %swap3A_47] : memref<2x400x64xf32, #tpu.memory_space<vmem>>, vector<1x400x64xf32>
    %swap3A_49 = vector.shape_cast %swap3A_48 : vector<1x400x64xf32> to vector<400x64xf32>
    %swap3A_50 = vector.shape_cast %slice3A_45 : vector<400x64xf32> to vector<1x400x64xf32>
    tpu.vector_store %arg7[%swap3A, %swap3A_46, %swap3A_47], %swap3A_50 {strides = array<i32>} : memref<2x400x64xf32, #tpu.memory_space<vmem>>, vector<1x400x64xf32>,
    %slice3A_51 = vector.extract_strided_slice %dot_general3A_44 {offsets = [0, 64], sizes = [400, 64], strides = [1, 1]} : vector<400x256xf32> to vector<400x64xf32>
    %swap3A_52 = arith.constant 1 : index
    %swap3A_53 = arith.constant 0 : index
    %swap3A_54 = arith.constant 0 : index
    %swap3A_55 = vector.load %arg7[%swap3A_52, %swap3A_53, %swap3A_54] : memref<2x400x64xf32, #tpu.memory_space<vmem>>, vector<1x400x64xf32>
    %swap3A_56 = vector.shape_cast %swap3A_55 : vector<1x400x64xf32> to vector<400x64xf32>
    %swap3A_57 = vector.shape_cast %slice3A_51 : vector<400x64xf32> to vector<1x400x64xf32>
    tpu.vector_store %arg7[%swap3A_52, %swap3A_53, %swap3A_54], %swap3A_57 {strides = array<i32>} : memref<2x400x64xf32, #tpu.memory_space<vmem>>, vector<1x400x64xf32>,
    %get3A_58 = arith.constant 0 : index
    %get3A_59 = arith.constant 0 : index
    %get3A_60 = vector.load %arg5[%get3A_58, %get3A_59] : memref<400x128xf32, #tpu.memory_space<vmem>>, vector<400x128xf32>
    %slice3A_61 = vector.extract_strided_slice %dot_general3A_44 {offsets = [0, 128], sizes = [400, 128], strides = [1, 1]} : vector<400x256xf32> to vector<400x128xf32>
    %add3A_62 = arith.addf %get3A_60, %slice3A_61 : vector<400x128xf32>
    %slice3A_63 = vector.extract_strided_slice %concatenate3A {offsets = [0, 256], sizes = [400, 128], strides = [1, 1]} : vector<400x384xf32> to vector<400x128xf32>
    %mul3A_64 = vector.broadcast %div3A_5 : vector<400x1xf32> to vector<400x128xf32>
    %mul3A_65 = arith.mulf %slice3A_63, %mul3A_64 : vector<400x128xf32>
    %add3A_66 = arith.addf %add3A_62, %mul3A_65 : vector<400x128xf32>
    %swap3A_67 = arith.constant 0 : index
    %swap3A_68 = arith.constant 0 : index
    %swap3A_69 = vector.load %arg8[%swap3A_67, %swap3A_68] : memref<400x128xf32, #tpu.memory_space<vmem>>, vector<400x128xf32>
    tpu.vector_store %arg8[%swap3A_67, %swap3A_68], %add3A_66 {strides = array<i32>} : memref<400x128xf32, #tpu.memory_space<vmem>>, vector<400x128xf32>,
    %swap3A_70 = arith.constant 0 : index
    %swap3A_71 = arith.constant 0 : index
    %swap3A_72 = vector.load %arg9[%swap3A_70, %swap3A_71] : memref<400x128xf32, #tpu.memory_space<vmem>>, vector<400x128xf32>
    tpu.vector_store %arg9[%swap3A_70, %swap3A_71], %slice3A_35 {strides = array<i32>} : memref<400x128xf32, #tpu.memory_space<vmem>>, vector<400x128xf32>,
    return
  }
  func.func @transform_0(%arg0: i32) -> (i32, i32) {
    %c0_i32 = arith.constant 0 : i32
    %c0_i32_0 = arith.constant 0 : i32
    return %arg0, %c0_i32 : i32, i32
  }
  func.func @transform_1(%arg0: i32) -> (i32, i32, i32) {
    %c0_i32 = arith.constant 0 : i32
    %c0_i32_0 = arith.constant 0 : i32
    %c0_i32_1 = arith.constant 0 : i32
    return %c0_i32, %arg0, %c0_i32_0 : i32, i32, i32
  }
  func.func @transform_2(%arg0: i32) -> (i32, i32) {
    %c0_i32 = arith.constant 0 : i32
    %c0_i32_0 = arith.constant 0 : i32
    return %arg0, %c0_i32 : i32, i32
  }
  func.func @transform_3(%arg0: i32) -> (i32, i32) {
    %c0_i32 = arith.constant 0 : i32
    %c0_i32_0 = arith.constant 0 : i32
    return %arg0, %c0_i32 : i32, i32
  }
  func.func @transform_4(%arg0: i32) -> (i32, i32) {
    %c0_i32 = arith.constant 0 : i32
    %c0_i32_0 = arith.constant 0 : i32
    return %arg0, %c0_i32 : i32, i32
  }
  func.func @transform_5(%arg0: i32) -> (i32, i32) {
    %c0_i32 = arith.constant 0 : i32
    %c0_i32_0 = arith.constant 0 : i32
    %c0_i32_1 = arith.constant 0 : i32
    return %c0_i32, %c0_i32_0 : i32, i32
  }
  func.func @transform_6(%arg0: i32) -> (i32, i32, i32) {
    %c0_i32 = arith.constant 0 : i32
    %c0_i32_0 = arith.constant 0 : i32
    %c0_i32_1 = arith.constant 0 : i32
    return %c0_i32, %arg0, %c0_i32_0 : i32, i32, i32
  }
  func.func @transform_7(%arg0: i32) -> (i32, i32) {
    %c0_i32 = arith.constant 0 : i32
    %c0_i32_0 = arith.constant 0 : i32
    return %arg0, %c0_i32 : i32, i32
  }
  func.func @transform_8(%arg0: i32) -> (i32, i32) {
    %c0_i32 = arith.constant 0 : i32
    %c0_i32_0 = arith.constant 0 : i32
    return %arg0, %c0_i32 : i32, i32
  }
}

module attributes {stable_mosaic.version = 14 : i64} {
  func.func @_c_body(%arg0: i32, %arg1: memref<400x128xf32, #tpu.memory_space<vmem>>, %arg2: memref<400x128xf32, #tpu.memory_space<vmem>>, %arg3: memref<2x400x64xf32, #tpu.memory_space<vmem>>, %arg4: memref<400x1xf32, #tpu.memory_space<vmem>>, %arg5: memref<400x128xf32, #tpu.memory_space<vmem>>, %arg6: memref<400x128xf32, #tpu.memory_space<vmem>>) attributes {dimension_semantics = [#tpu.dimension_semantics<arbitrary>], iteration_bounds = array<i64: 25>, scalar_prefetch = 0 : i64, scratch_operands = 0 : i64, tpu.core_type = #tpu.core_type<tc>, window_params = [{transform_indices = @transform_0, window_bounds = array<i64: 400, 128>}, {transform_indices = @transform_1, window_bounds = array<i64: 400, 128>}, {transform_indices = @transform_2, window_bounds = array<i64: 2, 400, 64>}, {transform_indices = @transform_3, window_bounds = array<i64: 400, 1>}, {transform_indices = @transform_4, window_bounds = array<i64: 400, 128>}, {transform_indices = @transform_5, window_bounds = array<i64: 400, 128>}]} {
    %get3A = arith.constant 0 : index
    %get3A_0 = arith.constant 0 : index
    %get3A_1 = vector.load %arg4[%get3A, %get3A_0] : memref<400x1xf32, #tpu.memory_space<vmem>>, vector<400x1xf32>
    %max3A = arith.constant 1.000000e+00 : f32
    %max3A_2 = vector.broadcast %max3A : f32 to vector<400x1xf32>
    %max3A_3 = arith.maximumf %get3A_1, %max3A_2 : vector<400x1xf32>
    %div3A = arith.constant 1.000000e+00 : f32
    %div3A_4 = vector.broadcast %div3A : f32 to vector<400x1xf32>
    %div3A_5 = arith.divf %div3A_4, %max3A_3 : vector<400x1xf32>
    %get3A_6 = arith.constant 0 : index
    %get3A_7 = arith.constant 0 : index
    %get3A_8 = arith.constant 0 : index
    %get3A_9 = vector.load %arg3[%get3A_6, %get3A_7, %get3A_8] : memref<2x400x64xf32, #tpu.memory_space<vmem>>, vector<1x400x64xf32>
    %get3A_10 = vector.shape_cast %get3A_9 : vector<1x400x64xf32> to vector<400x64xf32>
    %get3A_11 = arith.constant 1 : index
    %get3A_12 = arith.constant 0 : index
    %get3A_13 = arith.constant 0 : index
    %get3A_14 = vector.load %arg3[%get3A_11, %get3A_12, %get3A_13] : memref<2x400x64xf32, #tpu.memory_space<vmem>>, vector<1x400x64xf32>
    %get3A_15 = vector.shape_cast %get3A_14 : vector<1x400x64xf32> to vector<400x64xf32>
    %concatenate3A = tpu.concatenate %get3A_10, %get3A_15 in 1 : vector<400x64xf32>, vector<400x64xf32> -> vector<400x128xf32>
    %get3A_16 = arith.constant 0 : index
    %get3A_17 = arith.constant 0 : index
    %get3A_18 = vector.load %arg2[%get3A_16, %get3A_17] : memref<400x128xf32, #tpu.memory_space<vmem>>, vector<400x128xf32>
    %mul3A = vector.broadcast %div3A_5 : vector<400x1xf32> to vector<400x128xf32>
    %mul3A_19 = arith.mulf %concatenate3A, %mul3A : vector<400x128xf32>
    %add3A = arith.addf %get3A_18, %mul3A_19 : vector<400x128xf32>
    %tanh3A = math.tanh %add3A : vector<400x128xf32>
    %get3A_20 = arith.constant 0 : index
    %get3A_21 = arith.constant 0 : index
    %get3A_22 = vector.load %arg1[%get3A_20, %get3A_21] : memref<400x128xf32, #tpu.memory_space<vmem>>, vector<400x128xf32>
    %sub3A = arith.constant 1.000000e+00 : f32
    %sub3A_23 = vector.broadcast %sub3A : f32 to vector<400x128xf32>
    %sub3A_24 = arith.subf %sub3A_23, %get3A_22 : vector<400x128xf32>
    %get3A_25 = arith.constant 0 : index
    %get3A_26 = arith.constant 0 : index
    %get3A_27 = vector.load %arg5[%get3A_25, %get3A_26] : memref<400x128xf32, #tpu.memory_space<vmem>>, vector<400x128xf32>
    %mul3A_28 = arith.mulf %sub3A_24, %get3A_27 : vector<400x128xf32>
    %mul3A_29 = arith.mulf %get3A_22, %tanh3A : vector<400x128xf32>
    %add3A_30 = arith.addf %mul3A_28, %mul3A_29 : vector<400x128xf32>
    %swap3A = arith.constant 0 : index
    %swap3A_31 = arith.constant 0 : index
    %swap3A_32 = vector.load %arg6[%swap3A, %swap3A_31] : memref<400x128xf32, #tpu.memory_space<vmem>>, vector<400x128xf32>
    tpu.vector_store %arg6[%swap3A, %swap3A_31], %add3A_30 {strides = array<i32>} : memref<400x128xf32, #tpu.memory_space<vmem>>, vector<400x128xf32>,
    return
  }
  func.func @transform_0(%arg0: i32) -> (i32, i32) {
    %c0_i32 = arith.constant 0 : i32
    %c0_i32_0 = arith.constant 0 : i32
    return %arg0, %c0_i32 : i32, i32
  }
  func.func @transform_1(%arg0: i32) -> (i32, i32) {
    %c0_i32 = arith.constant 0 : i32
    %c0_i32_0 = arith.constant 0 : i32
    return %arg0, %c0_i32 : i32, i32
  }
  func.func @transform_2(%arg0: i32) -> (i32, i32, i32) {
    %c0_i32 = arith.constant 0 : i32
    %c0_i32_0 = arith.constant 0 : i32
    %c0_i32_1 = arith.constant 0 : i32
    return %c0_i32, %arg0, %c0_i32_0 : i32, i32, i32
  }
  func.func @transform_3(%arg0: i32) -> (i32, i32) {
    %c0_i32 = arith.constant 0 : i32
    %c0_i32_0 = arith.constant 0 : i32
    return %arg0, %c0_i32 : i32, i32
  }
  func.func @transform_4(%arg0: i32) -> (i32, i32) {
    %c0_i32 = arith.constant 0 : i32
    %c0_i32_0 = arith.constant 0 : i32
    return %arg0, %c0_i32 : i32, i32
  }
  func.func @transform_5(%arg0: i32) -> (i32, i32) {
    %c0_i32 = arith.constant 0 : i32
    %c0_i32_0 = arith.constant 0 : i32
    return %arg0, %c0_i32 : i32, i32
  }
}

</mosaic_0001>

<sc_bundles>
// kernel: kernel.10.cloned.1.call-start
scs
__scs_entry_jumppad:
0x0: {  	(pc) =	sbr.rel $0x88, $3  }
0x1: {  	(tag) =	ssettag $0x0;
	lr =	simm.s32 $0x1  }
0x2: {  	[smem:$0x3F95] =	sst lr;
	_ =	strace $0xD0000000  }
0x3: {  	_ = 	snop  }
0x4: {  	_ = 	snop  }
0x5: {  	_ = 	snop  }
0x6: {  	_ = 	snop  }
0x7: {  	_ = 	snop  }
__scs_overlays_trampoline_lowered:
0x8: {  	[smem:$0x3FA4] =	sst s0  }
0x9: {  	[smem:$0x3FA5] =	sst s1  }
0xa: {  	[smem:$0x3FA6] =	sst s2  }
0xb: {  	[smem:$0x3FA7] =	sst s3  }
0xc: {  	[smem:$0x3FA8] =	sst s4  }
0xd: {  	[smem:$0x3FA9] =	sst s5  }
0xe: {  	[smem:$0x3FAA] =	sst s6  }
0xf: {  	[smem:$0x3FAB] =	sst s7  }
0x10: {  	[smem:$0x3FAC] =	sst s8  }
0x11: {  	[smem:$0x3FAD] =	sst s9;
	s0 =	simm.s32 @!p0 $0x0  }
0x12: {  	s1 =	sld [smem:$0x3F93];
	s0 =	simm.s32 @p0 $0x1  }
0x13: {  	[smem:$0x3FAE] =	sst s0;
	s0 =	simm.s32 @!p1 $0x0  }
0x14: {  	s2 =	sld [smem:$0x3F92];
	s0 =	simm.s32 @p1 $0x1  }
0x15: {  	[smem:$0x3FAF] =	sst s0;
	s0 =	simm.s32 @!p2 $0x0  }
0x16: {  	s3 =	sld [smem:$0x3FDB];
	s0 =	simm.s32 @p2 $0x1  }
0x17: {  	s4 =	simm.s32 $0x1BF5;
	[smem:$0x3FB1] =	sst s0  }
0x18: {  	s0 =	sld [smem:$0x3F94];
	_ =	swait.ge [sflag:s4], $0x0  }
0x19: {  	s7 =	sld [smem:$0x3F95]  }
0x1a: {  	s8 =	sadd.s32 $0xFFFFE003, lr  }
0x1b: {  	s9 =	sadd.s32 $0xFFFFFEF7, lr;
	s5 =	simm.s32 $0xFFFFFFFF;
	p2 =	slt.u32 s8, $0xFFFFF086  }
0x1c: {  	p1 =	slt.u32 s9, $0xF7A;
	s5 =	simm.s32 @!p2 $0x0  }
0x1d: {  	s5 =	simm.s32 @p1 $0x1;
	p0 =	seq.s32 s7, s2  }
0x1e: {  	s7 =	smul.u32 @!p0 $0xF7A, s2;
	p2 =	seq.s32 @!p0 s5, $0x0  }
0x1f: {  	s9 =	smul.u32 $0xF7A, s1;
	s8 =	simm.s32 @!p0 $0x1BF5;
	p2 =	por !p2, p0  }
0x20: {  	[sflag:s8] =	ssyncset.s32 @!p0 $0xFFFFF086;
	s6 =	sadd.s32 @!p0 s3, s7;
	s7 =	simm.s32 @!p0 $0x108  }
0x21: {  	s3 =	sadd.s32 s3, s9;
	s6 =	sadd.s32 @!p0 $0x88, s6;
	s7 =	simm.s32 @p2 $0x1082  }
0x22: {  	[simem:s7], [sflag:s8] =	dma.local @!p0 [hbm:s6], $0xF7A  }
0x23: {  	s9 =	sor.u32 $0xD0000000, s2;
	s6 =	simm.s32 $0x108;
	_ =	swait.ge @!p0 [sflag:s8], $0x0  }
0x24: {  	s3 =	sadd.s32 $0x88, s3;
	s6 =	simm.s32 @!p1 $0x1082;
	[sflag:s4] =	ssyncset.s32 $0xFFFFF086  }
0x25: {  	[simem:s6], [sflag:s4] =	dma.local [hbm:s3], $0xF7A  }
0x26: {  	[smem:$0x3F95] =	sst s1;
	(tag) =	ssettag s2;
	_ =	strace s9  }
0x27: {  	s1 =	sld [smem:$0x3FA5]  }
0x28: {  	s2 =	sld [smem:$0x3FA6]  }
0x29: {  	s4 =	sld [smem:$0x3FA8]  }
0x2a: {  	p0 =	seq.s32 s5, $0x0;
	s5 =	sld [smem:$0x3FA9]  }
0x2b: {  	s6 =	sld [smem:$0x3FAA]  }
0x2c: {  	s7 =	sld [smem:$0x3FAB]  }
0x2d: {  	s3 =	simm.s32 $0x108;
	s8 =	sld [smem:$0x3FAC]  }
0x2e: {  	s3 =	simm.s32 @!p0 $0x1082;
	s9 =	sld [smem:$0x3FAD]  }
0x2f: {  	lr =	sadd.s32 s0, s3;
	s0 =	sld [smem:$0x3FA4]  }
0x30: {  	s3 =	sld [smem:$0x3FA7]  }
0x31: {  	[smem:$0x3FB0] =	sst s10  }
0x32: {  	s10 =	sld [smem:$0x3FAE];
	_ =	sdelay $0x3  }
0x33: {  	p0 =	seq.s32 s10, $0x1;
	s10 =	sld [smem:$0x3FB0];
	_ =	sdelay $0x3  }
0x34: {  	[smem:$0x3FB0] =	sst s10  }
0x35: {  	s10 =	sld [smem:$0x3FAF];
	_ =	sdelay $0x3  }
0x36: {  	p1 =	seq.s32 s10, $0x1;
	s10 =	sld [smem:$0x3FB0];
	_ =	sdelay $0x3  }
0x37: {  	[smem:$0x3FB0] =	sst s10  }
0x38: {  	s10 =	sld [smem:$0x3FB1]  }
0x39: {  	_ = 	snop;
	(pc) =	sbr.ind lr, $3  }
0x3a: {  	_ = 	snop  }
0x3b: {  	_ = 	snop  }
0x3c: {  	p2 =	seq.s32 s10, $0x1;
	s10 =	sld [smem:$0x3FB0]  }
0x3d: {  	_ =	shalt  }
0x3e: {  	_ =	shalt  }
0x3f: {  	_ =	shalt  }
0x40: {  	_ =	shalt  }
0x41: {  	_ =	shalt  }
0x42: {  	_ =	shalt  }
0x43: {  	_ =	shalt  }
0x44: {  	_ =	shalt  }
0x45: {  	_ =	shalt  }
0x46: {  	_ =	shalt  }
0x47: {  	_ =	shalt  }
0x48: {  	_ =	shalt  }
0x49: {  	_ =	shalt  }
0x4a: {  	_ =	shalt  }
0x4b: {  	_ =	shalt  }
0x4c: {  	_ =	shalt  }
0x4d: {  	_ =	shalt  }
0x4e: {  	_ =	shalt  }
0x4f: {  	_ =	shalt  }
0x50: {  	_ =	shalt  }
0x51: {  	_ =	shalt  }
0x52: {  	_ =	shalt  }
0x53: {  	_ =	shalt  }
0x54: {  	_ =	shalt  }
0x55: {  	_ =	shalt  }
0x56: {  	_ =	shalt  }
0x57: {  	_ =	shalt  }
0x58: {  	_ =	shalt  }
0x59: {  	_ =	shalt  }
0x5a: {  	_ =	shalt  }
0x5b: {  	_ =	shalt  }
0x5c: {  	_ =	shalt  }
0x5d: {  	_ =	shalt  }
0x5e: {  	_ =	shalt  }
0x5f: {  	_ =	shalt  }
0x60: {  	_ =	shalt  }
0x61: {  	_ =	shalt  }
0x62: {  	_ =	shalt  }
0x63: {  	_ =	shalt  }
0x64: {  	_ =	shalt  }
0x65: {  	_ =	shalt  }
0x66: {  	_ =	shalt  }
0x67: {  	_ =	shalt  }
0x68: {  	_ =	shalt  }
0x69: {  	_ =	shalt  }
0x6a: {  	_ =	shalt  }
0x6b: {  	_ =	shalt  }
0x6c: {  	_ =	shalt  }
0x6d: {  	_ =	shalt  }
0x6e: {  	_ =	shalt  }
0x6f: {  	_ =	shalt  }
0x70: {  	_ =	shalt  }
0x71: {  	_ =	shalt  }
0x72: {  	_ =	shalt  }
0x73: {  	_ =	shalt  }
0x74: {  	_ =	shalt  }
0x75: {  	_ =	shalt  }
0x76: {  	_ =	shalt  }
0x77: {  	_ =	shalt  }
0x78: {  	_ =	shalt  }
0x79: {  	_ =	shalt  }
0x7a: {  	_ =	shalt  }
0x7b: {  	_ =	shalt  }
0x7c: {  	_ =	shalt  }
0x7d: {  	_ =	shalt  }
0x7e: {  	_ =	shalt  }
0x7f: {  	_ =	shalt  }
0x80: {  	_ =	shalt  }
0x81: {  	_ =	shalt  }
0x82: {  	_ =	shalt  }
0x83: {  	_ =	shalt  }
0x84: {  	_ =	shalt  }
0x85: {  	_ =	shalt  }
0x86: {  	_ =	shalt  }
0x87: {  	_ =	shalt  }
.Lfunc_end0:
.L_simem_size_0:
called_computation.1_lowered:
.L_overlay_start_0:
0x88: {  	s2 =	sld [smem:$0x3FD9]  }
0x89: {  	s3 =	sld [smem:$0x3FFE];
	_ =	sdelay $0x1  }
0x8a: {  	s1 =	srdreg.scid  }
0x8b: {  	s0 =	sand.u32 $0x1, s1  }
0x8c: {  	s17 =	sshll.u32 s0, $0xA;
	s2 =	sadd.s32 s3, s2  }
0x8d: {  	s2 =	sadd.s32 s2, s17  }
0x8e: {  	[smem:$0x3FBC] =	sst s2  }
0x8f: {  	_ = 	snop  }
0x90: {  	s2 =	sld [smem:$0x3FD0];
	(tm) =	ssettm $0x1  }
0x91: {  	s18 =	sld [smem:$0x3FFB];
	_ =	sdelay $0x3  }
0x92: {  	_ =	strace s18  }
0x93: {  	s3 =	sld [smem:$0x3FFC];
	_ =	sdelay $0x3  }
0x94: {  	_ =	strace s3  }
0x95: {  	s3 =	sld [smem:$0x3FFD];
	_ =	sdelay $0x3  }
0x96: {  	_ =	strace s3  }
0x97: {  	_ =	strace $0x8FFFFFFF  }
0x98: {  	s19 =	sld [smem:$0x3FDB];
	_ =	sdelay $0x1  }
0x99: {  	s4 =	simm.s32 $_scs_section_size  }
0x9a: {  	s5 =	simm.s32 $_size__tile_overlayer_lowered;
	s6 =	simm.s32 $_tile_overlayer_lowered  }
0x9b: {  	s22 =	simm.s32 $0x1BFF;
	s21 =	sshll.u32 s6, $0x1;
	s3 =	sadd.s32 s4, s19  }
0x9c: {  	s7 =	simm.s32 $0x0;
	s20 =	sshll.u32 s5, $0x1;
	s5 =	sadd.s32 s21, s3  }
0x9d: {  	[timem:s7], [sflag:s22] =	dma.local [hbm:s5], s20  }
0x9e: {  	_ =	swait.ge [sflag:s22], s20  }
0x9f: {  	s4 =	ssub.s32 $0x0, s20;
	[sflag:s22] =	ssyncset.done $0x0  }
0xa0: {  	[sflag:s22] =	ssyncadd.s32 s4;
	_ =	sdelay $0x1  }
0xa1: {  	s23 =	simm.s32 $0x1B8B  }
0xa2: {  	_ =	swait.ge [sflag:s23], $0x1  }
0xa3: {  	[sflag:s23] =	ssyncset.done $0x0  }
0xa4: {  	s25 =	simm.s32 $0x1B8E;
	s24 =	sld [smem:$0x3FFE];
	[sflag:s23] =	ssyncadd.s32 $0xFFFFFFFF  }
0xa5: {  	s26 =	simm.s32 $execute0_lowered;
	[smem:$0x3FD2] =	sst s25  }
0xa6: {  	s5 =	sshll.u32 s26, $0x1;
	_ =	strace $0x80000049;
	[dreg:$0x1] =	wrdreg $0xFFFFFFFF  }
0xa7: {  	s28 =	simm.s32 $_size_execute0_lowered;
	s3 =	sadd.s32 s3, s5;
	[dreg:$0x0] =	wrdreg $0x0  }
0xa8: {  	s5 =	sshll.u32 s28, $0x1;
	[dreg:$0x2] =	wrdreg s3  }
0xa9: {  	[dreg:$0x3] =	wrdreg s5  }
0xaa: {  	[dreg:$0x4] =	wrdreg $0xC0  }
0xab: {  	_ =	task [dreg:s7], $0x5FFFF  }
0xac: {  	[dreg:$0x1] =	wrdreg $0xFFFFFFFF  }
0xad: {  	[dreg:$0x0] =	wrdreg $0x60  }
0xae: {  	[dreg:$0x2] =	wrdreg s2  }
0xaf: {  	[dreg:$0x3] =	wrdreg s24  }
0xb0: {  	[dreg:$0x4] =	wrdreg $0xDE000  }
0xb1: {  	[dreg:$0x5] =	wrdreg $0x9  }
0xb2: {  	_ =	task.clear_ibuf [dreg:s7], $0x6FFFF;
	_ =	strace $0x90000049  }
0xb3: {  	s29 =	simm.s32 $0x9;
	_ =	strace $0x8000004B  }
0xb4: {  	_ =	swait.ge [sflag:s29], $0x1  }
0xb5: {  	[sflag:s29] =	ssyncadd.s32 $0xFFFFFFFF  }
0xb6: {  	_ =	strace $0x9000004B  }
0xb7: {  	_ =	sfence  }
0xb8: {  	s30 =	sld [smem:$0x0];
	_ =	sdelay $0x2  }
0xb9: {  	s31 =	sshll.u32 s1, $0xD;
	s1 =	sshrl.u32 s1, $0x2  }
0xba: {  	s3 =	sand.u32 $0x4000, s31;
	s1 =	sadd.s32 s1, s30  }
0xbb: {  	s0 =	sor.u32 s3, s0;
	s1 =	sshll.u32 s1, $0x11  }
0xbc: {  	s0 =	sor.u32 s1, s0  }
0xbd: {  	s0 =	sadd.s32 $0x8F2B, s0  }
0xbe: {  	[sflag:s0] =	ssyncadd.remote.s32 $0x1  }
0xbf: {  	_ =	sfence.sel $0xFFFF  }
0xc0: {  	[dreg:$0x0] =	wrdreg $0xFFFFFFFF;
	(pc) =	sbr.abs _section_cstart, $3  }
0xc1: {  	[dreg:$0x1] =	wrdreg $0xFFFFFFFF  }
0xc2: {  	_ =	task.clear_ibuf [dreg:s7], $0x2FFFF;
	_ =	strace $0x9FFFFFFF  }
0xc3: {  	(tm) =	ssettm $0x7FFFFFFF  }
tec
execute0_lowered:
.L_overlay_start_1:
0x0: {  	(tag) =	ssettag $0x1  }
0x1: {  	s6 =	rddreg [dreg:$0x0]  }
0x2: {  	s4 =	rddreg [dreg:$0x1]  }
0x3: {  	s2 =	rddreg [dreg:$0x2]  }
0x4: {  	s0 =	rddreg [dreg:$0x3]  }
0x5: {  	s3 =	simm.s32 $0x0;
	s1 =	stileid.u32;
	s8 =	srdreg.scid  }
0x6: {  	s15 =	simm.s32 $0x1;
	s16 =	simm.s32 $0xBE00;
	s17 =	simm.s32 $0x2  }
0x7: {  	s18 =	simm.s32 $0x4E80;
	s19 =	simm.s32 $0x9D00;
	s5 =	smul.u32 $0x9E0, s1  }
0x8: {  	s20 =	simm.s32 $0x9D80;
	s7 =	smul.u32 $0x9E00, s1;
	s8 =	sand.u32 $0x1, s8  }
0x9: {  	[smem:$0x7FF] =	sst s3;
	s13 =	sshll.u32 s1, $0x6;
	s9 =	smul.u32 $0x13C00, s8  }
0xa: {  	_ =	strace $0x8000004A;
	s10 =	ssub.s32 $0x2, s8;
	s8 =	smul.u32 $0x13880, s8  }
0xb: {  	s13 =	sor.u32 $0x1C03, s13;
	s5 =	sadd.s32 s5, s4;
	s21 =	sshrl.u32 s7, $0x3  }
0xc: {  	s12 =	sshrl.u32 s10, $0x1;
	s14 =	sadd.s32 s7, s2;
	s11 =	sadd.s32 s21, s4  }
0xd: {  	s9 =	sadd.s32 s9, s4;
	s10 =	ssub.s32 s10, s12;
	s4 =	sadd.s32 $0x82A00, s5  }
0xe: {  	s5 =	sadd.s32 $0x78C00, s5;
	s6 =	sadd.s32 s6, s8;
	s12 =	simm.s32 $0x9E00  }
0xf: {  	s14 =	sshrl.u32 s14, $0x3;
	s7 =	sadd.s32 $0x3800, s11;
	s22 =	sadd.s32 $0x17400, s9  }
0x10: {  	s8 =	smax.u32 s10, $0x1;
	s9 =	simm.s32 $0x3;
	s10 =	simm.s32 $0x4F00  }
0x11: {  	s11 =	simm.s32 $0x80;
	s21 =	sadd.s32 s21, s22;
	s22 =	simm.s32 $0x0  }
.LBB2_1:
0x12: {  	[tilespmem:s3], [sflag:$0x3] =	stream.linear.gather [hbm4b:s4+s3], $0x4F00, $0x38;
	[tilespmem:$0x17C00] =	vst v63  }
0x13: {  	_ =	swait.ge [sflag:s9], $0x4F00  }
0x14: {  	[sflag:s9] =	ssyncset.done $0x0  }
0x15: {  	[sflag:s9] =	ssyncadd.s32 $0xFFFFB100  }
0x16: {  	[tilespmem:s10], [sflag:$0x3] =	stream.linear.gather [hbm4b:s5+s3], $0x4F00, $0x38;
	[tilespmem:$0x17C00] =	vst v63  }
0x17: {  	_ =	swait.ge [sflag:s9], $0x4F00  }
0x18: {  	[sflag:s9] =	ssyncset.done $0x0  }
0x19: {  	[sflag:s9] =	ssyncadd.s32 $0xFFFFB100  }
0x1a: {  	[tilespmem:s12], [sflag:$0x1] =	stream.indirect.gather [hbm4b:s6+s11], $0x40, s3, s11, $0xb8;
	[tilespmem:$0x17C00] =	vst v63  }
0x1b: {  	[spmem:s14], [sflag:s13] =	dma.local [hbm:s7], $0x13C0  }
0x1c: {  	_ =	swait.ge [sflag:s9], $0x13C0  }
0x1d: {  	[sflag:s9] =	ssyncset.done $0x0  }
0x1e: {  	[sflag:s9] =	ssyncadd.s32 $0xFFFFEC40  }
0x1f: {  	[bflag:$0x0] =	sbarrier.arrive $0xFFFF  }
0x20: {  	_ =	swait.ge [sflag:s15], $0x2000  }
0x21: {  	[sflag:s15] =	ssyncset.done $0x0  }
0x22: {  	s23 =	simm.s32 $0x80;
	[sflag:s15] =	ssyncadd.s32 $0xFFFFE000  }
0x23: {  	[tilespmem:s16], [sflag:$0x2] =	stream.indirect.gather [hbm4b:s6+s11], $0x40, s23, s11, $0xb8;
	[tilespmem:$0x17C00] =	vst v63  }
0x24: {  	s29 =	simm.s32 $0x4F00  }
0x25: {  	[spmem:s2] =	stream.indirect.scatter.add.f32 [tilespmem:s12], [sflag:$0x3], $0x40, s29, s11, $0xb8;
	[tilespmem:$0x17C00] =	vst v63  }
0x26: {  	_ =	swait.ge [sflag:s9], $0x2000  }
0x27: {  	[sflag:s9] =	ssyncset.done $0x0  }
0x28: {  	[sflag:s9] =	ssyncadd.s32 $0xFFFFE000  }
0x29: {  	_ =	swait.ge [sflag:s17], $0x2000  }
0x2a: {  	[sflag:s17] =	ssyncset.done $0x0  }
0x2b: {  	s30 =	simm.s32 $0x100;
	[sflag:s17] =	ssyncadd.s32 $0xFFFFE000  }
0x2c: {  	[tilespmem:s12], [sflag:$0x1] =	stream.indirect.gather [hbm4b:s6+s11], $0x40, s30, s11, $0xb8;
	[tilespmem:$0x17C00] =	vst v63  }
0x2d: {  	s31 =	simm.s32 $0x4F80  }
0x2e: {  	[spmem:s2] =	stream.indirect.scatter.add.f32 [tilespmem:s16], [sflag:$0x3], $0x40, s31, s11, $0xb8;
	[tilespmem:$0x17C00] =	vst v63  }
0x2f: {  	_ =	swait.ge [sflag:s9], $0x2000  }
0x30: {  	s23 =	simm.s32 $0x400;
	[sflag:s9] =	ssyncset.done $0x0  }
.LBB2_2:
0x31: {  	p0 =	sne.s32 s23, $0x13400  }
0x32: {  	[sflag:s9] =	ssyncadd.s32 $0xFFFFE000;
	s24 =	smov.u32 s23;
	s23 =	sadd.s32 $0x400, s23  }
0x33: {  	_ = 	snop  }
0x34: {  	_ =	swait.ge [sflag:s15], $0x2000  }
0x35: {  	s24 =	sshra.s32 s24, $0x2;
	[sflag:s15] =	ssyncset.done $0x0  }
0x36: {  	s25 =	sadd.s32 $0x80, s24;
	[sflag:s15] =	ssyncadd.s32 $0xFFFFE000  }
0x37: {  	[tilespmem:s16], [sflag:$0x2] =	stream.indirect.gather [hbm4b:s6+s11], $0x40, s25, s11, $0xb8;
	[tilespmem:$0x17C00] =	vst v63  }
0x38: {  	s25 =	sadd.s32 $0x4F00, s24  }
0x39: {  	[spmem:s2] =	stream.indirect.scatter.add.f32 [tilespmem:s12], [sflag:$0x3], $0x40, s25, s11, $0xb8;
	[tilespmem:$0x17C00] =	vst v63  }
0x3a: {  	_ =	swait.ge [sflag:s9], $0x2000  }
0x3b: {  	[sflag:s9] =	ssyncset.done $0x0  }
0x3c: {  	[sflag:s9] =	ssyncadd.s32 $0xFFFFE000  }
0x3d: {  	_ =	swait.ge [sflag:s17], $0x2000  }
0x3e: {  	[sflag:s17] =	ssyncset.done $0x0  }
0x3f: {  	s25 =	sadd.s32 $0x100, s24;
	[sflag:s17] =	ssyncadd.s32 $0xFFFFE000  }
0x40: {  	[tilespmem:s12], [sflag:$0x1] =	stream.indirect.gather [hbm4b:s6+s11], $0x40, s25, s11, $0xb8;
	[tilespmem:$0x17C00] =	vst v63  }
.Ltmp0:
0x41: {  	_ = 	snop;
	(pc) =	sbr.rel @p0 .LBB2_2-.Ltmp0, $4  }
0x42: {  	s24 =	sadd.s32 $0x4F80, s24  }
0x43: {  	[spmem:s2] =	stream.indirect.scatter.add.f32 [tilespmem:s16], [sflag:$0x3], $0x40, s24, s11, $0xb8;
	[tilespmem:$0x17C00] =	vst v63  }
0x44: {  	_ =	swait.ge [sflag:s9], $0x2000  }
0x45: {  	[sflag:s9] =	ssyncset.done $0x0  }
0x46: {  	[sflag:s9] =	ssyncadd.s32 $0xFFFFE000  }
0x47: {  	_ =	swait.ge [sflag:s15], $0x2000  }
0x48: {  	[sflag:s15] =	ssyncset.done $0x0  }
0x49: {  	[sflag:s15] =	ssyncadd.s32 $0xFFFFE000  }
0x4a: {  	[tilespmem:s16], [sflag:$0x2] =	stream.indirect.gather [hbm4b:s6+s11], $0x40, s18, s11, $0xb8;
	[tilespmem:$0x17C00] =	vst v63  }
0x4b: {  	_ = 	snop  }
0x4c: {  	[spmem:s2] =	stream.indirect.scatter.add.f32 [tilespmem:s12], [sflag:$0x3], $0x40, s19, s11, $0xb8;
	[tilespmem:$0x17C00] =	vst v63  }
0x4d: {  	_ =	swait.ge [sflag:s9], $0x2000  }
0x4e: {  	[sflag:s9] =	ssyncset.done $0x0  }
0x4f: {  	[sflag:s9] =	ssyncadd.s32 $0xFFFFE000  }
0x50: {  	_ =	swait.ge [sflag:s17], $0x2000  }
0x51: {  	[sflag:s17] =	ssyncset.done $0x0  }
0x52: {  	[sflag:s17] =	ssyncadd.s32 $0xFFFFE000  }
0x53: {  	[spmem:s2] =	stream.indirect.scatter.add.f32 [tilespmem:s16], [sflag:$0x3], $0x40, s20, s11, $0xb8;
	[tilespmem:$0x17C00] =	vst v63  }
0x54: {  	_ =	swait.ge [sflag:s9], $0x2000  }
0x55: {  	s22 =	sadd.s32 $0x1, s22;
	[sflag:s9] =	ssyncset.done $0x0  }
0x56: {  	p0 =	sne.s32 s22, s8;
	[sflag:s9] =	ssyncadd.s32 $0xFFFFE000  }
.Ltmp1:
0x57: {  	[bflag:$0x0] =	sbarrier.arrive $0xFFFF;
	(pc) =	sbr.rel @p0 .LBB2_1-.Ltmp1, $4  }
0x58: {  	[hbm:s21], [sflag:s13] =	dma.local [spmem:s14], $0x13C0  }
0x59: {  	_ =	swait.ge [sflag:s9], $0x13C0  }
0x5a: {  	[sflag:s9] =	ssyncset.done $0x0  }
0x5b: {  	[sflag:s9] =	ssyncadd.s32 $0xFFFFEC40  }
0x5c: {  	_ =	sfence.sel $0x180000  }
0x5d: {  	[bflag:$0x0] =	sbarrier.arrive $0xFFFF  }
0x5e: {  	p0 =	sne.s32 s1, $0x0;
	_ =	strace $0x9000004A  }
0x5f: {  	s0 =	sadd.s32 @!p0 $0x100000, s0;
	[bflag:$0x2] =	sbarrier.arrive $0xFFFF  }
0x60: {  	[sflag:s0] =	ssyncadd.tile.s32 @!p0 $0x1;
	_ =	shalt  }
.Lfunc_end2:
_tile_overlayer_lowered:
.L_overlay_start_2:
0x61: {  	(tag) =	ssettag $0x2  }
0x62: {  	s0 =	rddreg [dreg:$0x0];
	s2 =	stileid.u32  }
0x63: {  	s1 =	rddreg [dreg:$0x1];
	p0 =	sne.s32 s2, $0x0  }
0x64: {  	s3 =	rddreg [dreg:$0x2];
	[bflag:$0x3] =	sbarrier.arrive $0xFFFF;
	s2 =	simm.s32 @!p0 $0x1C03  }
0x65: {  	[timem:s3], [sflag:s2] =	dma.local @!p0 [hbm:s0], s1  }
0x66: {  	s0 =	simm.s32 @!p0 $0x3  }
0x67: {  	_ =	swait.ge @!p0 [sflag:s0], s1  }
0x68: {  	s1 =	ssub.s32 @!p0 $0x0, s1;
	[sflag:s0] =	ssyncset.done @!p0 $0x0  }
0x69: {  	[sflag:s0] =	ssyncadd.s32 @!p0 s1  }
0x6a: {  	[bflag:$0x3] =	sbarrier.arrive $0xFFFF  }
0x6b: {  	_ =	shalt  }

// kernel: kernel.7.cloned.1.call-start
scs
__scs_entry_jumppad:
0x0: {  	(pc) =	sbr.rel $0x88, $3  }
0x1: {  	(tag) =	ssettag $0x0;
	lr =	simm.s32 $0x1  }
0x2: {  	[smem:$0x3F95] =	sst lr;
	_ =	strace $0xD0000000  }
0x3: {  	_ = 	snop  }
0x4: {  	_ = 	snop  }
0x5: {  	_ = 	snop  }
0x6: {  	_ = 	snop  }
0x7: {  	_ = 	snop  }
__scs_overlays_trampoline_lowered:
0x8: {  	[smem:$0x3FA4] =	sst s0  }
0x9: {  	[smem:$0x3FA5] =	sst s1  }
0xa: {  	[smem:$0x3FA6] =	sst s2  }
0xb: {  	[smem:$0x3FA7] =	sst s3  }
0xc: {  	[smem:$0x3FA8] =	sst s4  }
0xd: {  	[smem:$0x3FA9] =	sst s5  }
0xe: {  	[smem:$0x3FAA] =	sst s6  }
0xf: {  	[smem:$0x3FAB] =	sst s7  }
0x10: {  	[smem:$0x3FAC] =	sst s8  }
0x11: {  	[smem:$0x3FAD] =	sst s9;
	s0 =	simm.s32 @!p0 $0x0  }
0x12: {  	s1 =	sld [smem:$0x3F93];
	s0 =	simm.s32 @p0 $0x1  }
0x13: {  	[smem:$0x3FAE] =	sst s0;
	s0 =	simm.s32 @!p1 $0x0  }
0x14: {  	s2 =	sld [smem:$0x3F92];
	s0 =	simm.s32 @p1 $0x1  }
0x15: {  	[smem:$0x3FAF] =	sst s0;
	s0 =	simm.s32 @!p2 $0x0  }
0x16: {  	s3 =	sld [smem:$0x3FDB];
	s0 =	simm.s32 @p2 $0x1  }
0x17: {  	s4 =	simm.s32 $0x1BF5;
	[smem:$0x3FB1] =	sst s0  }
0x18: {  	s0 =	sld [smem:$0x3F94];
	_ =	swait.ge [sflag:s4], $0x0  }
0x19: {  	s7 =	sld [smem:$0x3F95]  }
0x1a: {  	s8 =	sadd.s32 $0xFFFFE003, lr  }
0x1b: {  	s9 =	sadd.s32 $0xFFFFFEF7, lr;
	s5 =	simm.s32 $0xFFFFFFFF;
	p2 =	slt.u32 s8, $0xFFFFF086  }
0x1c: {  	p1 =	slt.u32 s9, $0xF7A;
	s5 =	simm.s32 @!p2 $0x0  }
0x1d: {  	s5 =	simm.s32 @p1 $0x1;
	p0 =	seq.s32 s7, s2  }
0x1e: {  	s7 =	smul.u32 @!p0 $0xF7A, s2;
	p2 =	seq.s32 @!p0 s5, $0x0  }
0x1f: {  	s9 =	smul.u32 $0xF7A, s1;
	s8 =	simm.s32 @!p0 $0x1BF5;
	p2 =	por !p2, p0  }
0x20: {  	[sflag:s8] =	ssyncset.s32 @!p0 $0xFFFFF086;
	s6 =	sadd.s32 @!p0 s3, s7;
	s7 =	simm.s32 @!p0 $0x108  }
0x21: {  	s3 =	sadd.s32 s3, s9;
	s6 =	sadd.s32 @!p0 $0x88, s6;
	s7 =	simm.s32 @p2 $0x1082  }
0x22: {  	[simem:s7], [sflag:s8] =	dma.local @!p0 [hbm:s6], $0xF7A  }
0x23: {  	s9 =	sor.u32 $0xD0000000, s2;
	s6 =	simm.s32 $0x108;
	_ =	swait.ge @!p0 [sflag:s8], $0x0  }
0x24: {  	s3 =	sadd.s32 $0x88, s3;
	s6 =	simm.s32 @!p1 $0x1082;
	[sflag:s4] =	ssyncset.s32 $0xFFFFF086  }
0x25: {  	[simem:s6], [sflag:s4] =	dma.local [hbm:s3], $0xF7A  }
0x26: {  	[smem:$0x3F95] =	sst s1;
	(tag) =	ssettag s2;
	_ =	strace s9  }
0x27: {  	s1 =	sld [smem:$0x3FA5]  }
0x28: {  	s2 =	sld [smem:$0x3FA6]  }
0x29: {  	s4 =	sld [smem:$0x3FA8]  }
0x2a: {  	p0 =	seq.s32 s5, $0x0;
	s5 =	sld [smem:$0x3FA9]  }
0x2b: {  	s6 =	sld [smem:$0x3FAA]  }
0x2c: {  	s7 =	sld [smem:$0x3FAB]  }
0x2d: {  	s3 =	simm.s32 $0x108;
	s8 =	sld [smem:$0x3FAC]  }
0x2e: {  	s3 =	simm.s32 @!p0 $0x1082;
	s9 =	sld [smem:$0x3FAD]  }
0x2f: {  	lr =	sadd.s32 s0, s3;
	s0 =	sld [smem:$0x3FA4]  }
0x30: {  	s3 =	sld [smem:$0x3FA7]  }
0x31: {  	[smem:$0x3FB0] =	sst s10  }
0x32: {  	s10 =	sld [smem:$0x3FAE];
	_ =	sdelay $0x3  }
0x33: {  	p0 =	seq.s32 s10, $0x1;
	s10 =	sld [smem:$0x3FB0];
	_ =	sdelay $0x3  }
0x34: {  	[smem:$0x3FB0] =	sst s10  }
0x35: {  	s10 =	sld [smem:$0x3FAF];
	_ =	sdelay $0x3  }
0x36: {  	p1 =	seq.s32 s10, $0x1;
	s10 =	sld [smem:$0x3FB0];
	_ =	sdelay $0x3  }
0x37: {  	[smem:$0x3FB0] =	sst s10  }
0x38: {  	s10 =	sld [smem:$0x3FB1]  }
0x39: {  	_ = 	snop;
	(pc) =	sbr.ind lr, $3  }
0x3a: {  	_ = 	snop  }
0x3b: {  	_ = 	snop  }
0x3c: {  	p2 =	seq.s32 s10, $0x1;
	s10 =	sld [smem:$0x3FB0]  }
0x3d: {  	_ =	shalt  }
0x3e: {  	_ =	shalt  }
0x3f: {  	_ =	shalt  }
0x40: {  	_ =	shalt  }
0x41: {  	_ =	shalt  }
0x42: {  	_ =	shalt  }
0x43: {  	_ =	shalt  }
0x44: {  	_ =	shalt  }
0x45: {  	_ =	shalt  }
0x46: {  	_ =	shalt  }
0x47: {  	_ =	shalt  }
0x48: {  	_ =	shalt  }
0x49: {  	_ =	shalt  }
0x4a: {  	_ =	shalt  }
0x4b: {  	_ =	shalt  }
0x4c: {  	_ =	shalt  }
0x4d: {  	_ =	shalt  }
0x4e: {  	_ =	shalt  }
0x4f: {  	_ =	shalt  }
0x50: {  	_ =	shalt  }
0x51: {  	_ =	shalt  }
0x52: {  	_ =	shalt  }
0x53: {  	_ =	shalt  }
0x54: {  	_ =	shalt  }
0x55: {  	_ =	shalt  }
0x56: {  	_ =	shalt  }
0x57: {  	_ =	shalt  }
0x58: {  	_ =	shalt  }
0x59: {  	_ =	shalt  }
0x5a: {  	_ =	shalt  }
0x5b: {  	_ =	shalt  }
0x5c: {  	_ =	shalt  }
0x5d: {  	_ =	shalt  }
0x5e: {  	_ =	shalt  }
0x5f: {  	_ =	shalt  }
0x60: {  	_ =	shalt  }
0x61: {  	_ =	shalt  }
0x62: {  	_ =	shalt  }
0x63: {  	_ =	shalt  }
0x64: {  	_ =	shalt  }
0x65: {  	_ =	shalt  }
0x66: {  	_ =	shalt  }
0x67: {  	_ =	shalt  }
0x68: {  	_ =	shalt  }
0x69: {  	_ =	shalt  }
0x6a: {  	_ =	shalt  }
0x6b: {  	_ =	shalt  }
0x6c: {  	_ =	shalt  }
0x6d: {  	_ =	shalt  }
0x6e: {  	_ =	shalt  }
0x6f: {  	_ =	shalt  }
0x70: {  	_ =	shalt  }
0x71: {  	_ =	shalt  }
0x72: {  	_ =	shalt  }
0x73: {  	_ =	shalt  }
0x74: {  	_ =	shalt  }
0x75: {  	_ =	shalt  }
0x76: {  	_ =	shalt  }
0x77: {  	_ =	shalt  }
0x78: {  	_ =	shalt  }
0x79: {  	_ =	shalt  }
0x7a: {  	_ =	shalt  }
0x7b: {  	_ =	shalt  }
0x7c: {  	_ =	shalt  }
0x7d: {  	_ =	shalt  }
0x7e: {  	_ =	shalt  }
0x7f: {  	_ =	shalt  }
0x80: {  	_ =	shalt  }
0x81: {  	_ =	shalt  }
0x82: {  	_ =	shalt  }
0x83: {  	_ =	shalt  }
0x84: {  	_ =	shalt  }
0x85: {  	_ =	shalt  }
0x86: {  	_ =	shalt  }
0x87: {  	_ =	shalt  }
.Lfunc_end0:
.L_simem_size_0:
called_computation_lowered:
.L_overlay_start_0:
0x88: {  	s2 =	sld [smem:$0x3FD9]  }
0x89: {  	s3 =	sld [smem:$0x3FFE];
	_ =	sdelay $0x1  }
0x8a: {  	s1 =	srdreg.scid  }
0x8b: {  	s0 =	sand.u32 $0x1, s1  }
0x8c: {  	s16 =	sshll.u32 s0, $0xA;
	s2 =	sadd.s32 s3, s2  }
0x8d: {  	s2 =	sadd.s32 s2, s16  }
0x8e: {  	[smem:$0x3FBC] =	sst s2  }
0x8f: {  	_ = 	snop  }
0x90: {  	(tm) =	ssettm $0x1  }
0x91: {  	s17 =	sld [smem:$0x3FFB];
	_ =	sdelay $0x3  }
0x92: {  	_ =	strace s17  }
0x93: {  	s2 =	sld [smem:$0x3FFC];
	_ =	sdelay $0x3  }
0x94: {  	_ =	strace s2  }
0x95: {  	s2 =	sld [smem:$0x3FFD];
	_ =	sdelay $0x3  }
0x96: {  	_ =	strace s2  }
0x97: {  	_ =	strace $0x8FFFFFFF  }
0x98: {  	s18 =	sld [smem:$0x3FDB];
	_ =	sdelay $0x1  }
0x99: {  	s19 =	simm.s32 $_scs_section_size  }
0x9a: {  	s4 =	simm.s32 $_size__tile_overlayer_lowered;
	s5 =	simm.s32 $_tile_overlayer_lowered  }
0x9b: {  	s22 =	simm.s32 $0x1BFF;
	s21 =	sshll.u32 s5, $0x1;
	s2 =	sadd.s32 s19, s18  }
0x9c: {  	s6 =	simm.s32 $0x0;
	s20 =	sshll.u32 s4, $0x1;
	s4 =	sadd.s32 s21, s2  }
0x9d: {  	[timem:s6], [sflag:s22] =	dma.local [hbm:s4], s20  }
0x9e: {  	_ =	swait.ge [sflag:s22], s20  }
0x9f: {  	s3 =	ssub.s32 $0x0, s20;
	[sflag:s22] =	ssyncset.done $0x0  }
0xa0: {  	[sflag:s22] =	ssyncadd.s32 s3;
	_ =	sdelay $0x1  }
0xa1: {  	s23 =	simm.s32 $0x1B8B  }
0xa2: {  	_ =	swait.ge [sflag:s23], $0x1  }
0xa3: {  	[sflag:s23] =	ssyncset.done $0x0  }
0xa4: {  	s25 =	simm.s32 $0x1B8E;
	s24 =	sld [smem:$0x3FFE];
	[sflag:s23] =	ssyncadd.s32 $0xFFFFFFFF  }
0xa5: {  	s26 =	simm.s32 $execute0_lowered;
	[smem:$0x3FD2] =	sst s25  }
0xa6: {  	s4 =	sshll.u32 s26, $0x1;
	_ =	strace $0x80000046;
	[dreg:$0x1] =	wrdreg $0xFFFFFFFF  }
0xa7: {  	s28 =	simm.s32 $_size_execute0_lowered;
	s2 =	sadd.s32 s2, s4;
	[dreg:$0x0] =	wrdreg $0x0  }
0xa8: {  	s4 =	sshll.u32 s28, $0x1;
	[dreg:$0x2] =	wrdreg s2  }
0xa9: {  	[dreg:$0x3] =	wrdreg s4  }
0xaa: {  	[dreg:$0x4] =	wrdreg $0xC0  }
0xab: {  	_ =	task [dreg:s6], $0x5FFFF  }
0xac: {  	[dreg:$0x1] =	wrdreg $0xFFFFFFFF  }
0xad: {  	[dreg:$0x0] =	wrdreg $0x60  }
0xae: {  	[dreg:$0x2] =	wrdreg s24  }
0xaf: {  	[dreg:$0x3] =	wrdreg $0x1EB800  }
0xb0: {  	[dreg:$0x4] =	wrdreg $0xFE000  }
0xb1: {  	[dreg:$0x5] =	wrdreg $0x9  }
0xb2: {  	_ =	task.clear_ibuf [dreg:s6], $0x6FFFF;
	_ =	strace $0x90000046  }
0xb3: {  	s29 =	simm.s32 $0x9;
	_ =	strace $0x80000048  }
0xb4: {  	_ =	swait.ge [sflag:s29], $0x1  }
0xb5: {  	[sflag:s29] =	ssyncadd.s32 $0xFFFFFFFF  }
0xb6: {  	_ =	strace $0x90000048  }
0xb7: {  	_ =	sfence  }
0xb8: {  	s30 =	sld [smem:$0x0];
	_ =	sdelay $0x2  }
0xb9: {  	s31 =	sshll.u32 s1, $0xD;
	s1 =	sshrl.u32 s1, $0x2  }
0xba: {  	s3 =	sand.u32 $0x4000, s31;
	s1 =	sadd.s32 s1, s30  }
0xbb: {  	s0 =	sor.u32 s3, s0;
	s1 =	sshll.u32 s1, $0x11  }
0xbc: {  	s0 =	sor.u32 s1, s0  }
0xbd: {  	s0 =	sadd.s32 $0x8F2B, s0  }
0xbe: {  	[sflag:s0] =	ssyncadd.remote.s32 $0x1  }
0xbf: {  	_ =	sfence.sel $0xFFFF  }
0xc0: {  	[dreg:$0x0] =	wrdreg $0xFFFFFFFF;
	(pc) =	sbr.abs _section_cstart, $3  }
0xc1: {  	[dreg:$0x1] =	wrdreg $0xFFFFFFFF  }
0xc2: {  	_ =	task.clear_ibuf [dreg:s6], $0x2FFFF;
	_ =	strace $0x9FFFFFFF  }
0xc3: {  	(tm) =	ssettm $0x7FFFFFFF  }
tec
execute0_lowered:
.L_overlay_start_1:
0x0: {  	(tag) =	ssettag $0x1  }
0x1: {  	s0 =	rddreg [dreg:$0x0]  }
0x2: {  	s2 =	rddreg [dreg:$0x1]  }
0x3: {  	s3 =	rddreg [dreg:$0x2];
	s18 =	stileid.u32;
	s4 =	simm.s32 $0x0  }
0x4: {  	s7 =	srdreg.scid;
	s19 =	simm.s32 $0x80;
	s20 =	simm.s32 $0x9E00  }
0x5: {  	s21 =	simm.s32 $0x1;
	s28 =	simm.s32 $0x4E80;
	s29 =	simm.s32 $0x9D00  }
0x6: {  	s31 =	simm.s32 $0x0;
	s1 =	smul.u32 $0x9E0, s18;
	[smem:$0x7FF] =	sst s4  }
0x7: {  	s5 =	smul.u32 $0xED00, s18;
	s6 =	sadd.s32 $0x3800, s0;
	s7 =	sand.u32 $0x1, s7  }
0x8: {  	s8 =	sadd.s32 $0xAA200, s0;
	s9 =	sadd.s32 $0xAA800, s0;
	s14 =	sadd.s32 $0xAB000, s0  }
0x9: {  	_ =	strace $0x80000047;
	[dreg:$0x4] =	wrdreg s8;
	s10 =	smul.u32 $0x3A980, s7  }
0xa: {  	s22 =	ssub.s32 $0x2, s7;
	[dreg:$0x5] =	wrdreg s9;
	s13 =	smul.u32 $0x3B400, s7  }
0xb: {  	s15 =	sshllo.u32 s7, $0x1;
	s26 =	sor.u32 s18, s7;
	p1 =	sne.s32 s7, $0x0  }
0xc: {  	s1 =	sadd.s32 s1, s0;
	s16 =	sshrl.u32 s5, $0x3;
	s17 =	smul.u32 $0x1D4C0, s15  }
0xd: {  	s23 =	sshrl.u32 s22, $0x1;
	s11 =	sadd.s32 s5, s3;
	s30 =	smul.u32 $0x1DA00, s15  }
0xe: {  	p0 =	sne.s32 s26, $0x0;
	s15 =	simm.s32 $0x3;
	s26 =	simm.s32 $0x2  }
0xf: {  	s12 =	sadd.s32 s16, s0;
	s0 =	sadd.s32 $0xAAA00, s0;
	s24 =	ssub.s32 s22, s23  }
0x10: {  	s25 =	sadd.s32 $0x82A00, s1;
	s1 =	sadd.s32 $0x78C00, s1;
	[dreg:$0x6] =	wrdreg s0  }
0x11: {  	s10 =	sadd.s32 s6, s10;
	s23 =	sadd.s32 s14, s13;
	[dreg:$0x7] =	wrdreg s25  }
0x12: {  	s22 =	simm.s32 $0xCE00;
	[dreg:$0x8] =	wrdreg s1;
	s12 =	sadd.s32 $0x8C800, s12  }
0x13: {  	s13 =	sadd.s32 s6, s17;
	s5 =	sadd.s32 s14, s30;
	s14 =	smax.u32 s24, $0x1  }
0x14: {  	s0 =	sshll.u32 @!p0 s18, $0x6;
	s18 =	sshrl.u32 @!p0 s2, $0x3;
	s23 =	sadd.s32 s16, s23  }
0x15: {  	s25 =	simm.s32 $0x4;
	s17 =	sor.u32 @!p0 $0x1C03, s0;
	s24 =	sadd.s32 s16, s5  }
.LBB2_1:
0x16: {  	s0 =	rddreg [dreg:$0x7]  }
0x17: {  	[tilespmem:s4], [sflag:$0x3] =	stream.linear.gather [hbm4b:s0+s4], $0x4F00, $0x38;
	[tilespmem:$0x1EDF8] =	vst v63  }
0x18: {  	_ =	swait.ge [sflag:s15], $0x4F00  }
0x19: {  	[sflag:s15] =	ssyncset.done $0x0  }
0x1a: {  	s1 =	simm.s32 $0x4F00;
	s6 =	rddreg [dreg:$0x8];
	[sflag:s15] =	ssyncadd.s32 $0xFFFFB100  }
0x1b: {  	[tilespmem:s1], [sflag:$0x3] =	stream.linear.gather [hbm4b:s6+s4], $0x4F00, $0x38;
	[tilespmem:$0x1EDF8] =	vst v63  }
0x1c: {  	_ =	swait.ge [sflag:s15], $0x4F00  }
0x1d: {  	s5 =	simm.s32 @!p1 $0x1EB00;
	s0 =	simm.s32 @!p1 $0x0;
	[sflag:s15] =	ssyncset.done $0x0  }
0x1e: {  	s6 =	simm.s32 @!p1 $0x3;
	s1 =	rddreg [dreg:$0x5];
	[sflag:s15] =	ssyncadd.s32 $0xFFFFB100  }
0x1f: {  	[tilespmem:s5], [sflag:$0x3] =	stream.linear.gather @!p1 [hbm4b:s1+s0], $0x80, $0x38;
	[tilespmem:$0x1EDF8] =	vst v63  }
0x20: {  	_ =	swait.ge @!p1 [sflag:s6], $0x80  }
0x21: {  	[sflag:s6] =	ssyncset.done @!p1 $0x0  }
0x22: {  	s0 =	rddreg [dreg:$0x4];
	[sflag:s6] =	ssyncadd.s32 @!p1 $0xFFFFFF80  }
0x23: {  	[spmem:s18], [sflag:s17] =	dma.local @!p0 [hbm:s0], $0x4F0  }
0x24: {  	s0 =	simm.s32 @!p0 $0x3  }
0x25: {  	_ =	swait.ge @!p0 [sflag:s0], $0x4F0  }
0x26: {  	s7 =	stileid.u32;
	[sflag:s0] =	ssyncset.done @!p0 $0x0  }
0x27: {  	[sflag:s0] =	ssyncadd.s32 @!p0 $0xFFFFFB10;
	s0 =	sshll.u32 s7, $0x6  }
0x28: {  	[tilespmem:s20], [sflag:$0x1] =	stream.indirect.gather [hbm4b:s10+s19], $0x60, s4, s19, $0xb8;
	[tilespmem:$0x1EDF8] =	vst v63  }
0x29: {  	s16 =	sshrl.u32 s11, $0x3;
	s0 =	sor.u32 $0x1C03, s0  }
0x2a: {  	[spmem:s16], [sflag:s0] =	dma.local [hbm:s12], $0x1DA0  }
0x2b: {  	_ =	swait.ge [sflag:s15], $0x1DA0  }
0x2c: {  	[sflag:s15] =	ssyncset.done $0x0  }
0x2d: {  	[sflag:s15] =	ssyncadd.s32 $0xFFFFE260  }
0x2e: {  	[bflag:$0x0] =	sbarrier.arrive $0xFFFF  }
0x2f: {  	_ =	swait.ge [sflag:s21], $0x3000  }
0x30: {  	[sflag:s21] =	ssyncset.done $0x0  }
0x31: {  	s8 =	simm.s32 $0x80;
	[sflag:s21] =	ssyncadd.s32 $0xFFFFD000  }
0x32: {  	[tilespmem:s22], [sflag:$0x2] =	stream.indirect.gather [hbm4b:s10+s19], $0x60, s8, s19, $0xb8;
	[tilespmem:$0x1EDF8] =	vst v63  }
0x33: {  	s7 =	simm.s32 $0x4F00  }
0x34: {  	[spmem:s3] =	stream.indirect.scatter.add.f32 [tilespmem:s20], [sflag:$0x4], $0x60, s7, s19, $0xb8;
	[tilespmem:$0x1EDF8] =	vst v63  }
0x35: {  	_ =	swait.ge [sflag:s25], $0x3000  }
0x36: {  	[sflag:s25] =	ssyncset.done $0x0  }
0x37: {  	s30 =	simm.s32 @!p1 $0x4;
	s1 =	simm.s32 @!p1 $0x80;
	[sflag:s25] =	ssyncadd.s32 $0xFFFFD000  }
0x38: {  	[spmem:s2] =	stream.indirect.scatter.add.f32 @!p1 [tilespmem:s5], [sflag:$0x4], $0x1, s7, s1, $0xb8;
	[tilespmem:$0x1EDF8] =	vst v63  }
0x39: {  	_ =	swait.ge @!p1 [sflag:s30], $0x80  }
0x3a: {  	[sflag:s30] =	ssyncset.done @!p1 $0x0  }
0x3b: {  	[sflag:s30] =	ssyncadd.s32 @!p1 $0xFFFFFF80  }
0x3c: {  	_ =	swait.ge [sflag:s26], $0x3000  }
0x3d: {  	[sflag:s26] =	ssyncset.done $0x0  }
0x3e: {  	s9 =	simm.s32 $0x100;
	[sflag:s26] =	ssyncadd.s32 $0xFFFFD000  }
0x3f: {  	[tilespmem:s20], [sflag:$0x1] =	stream.indirect.gather [hbm4b:s10+s19], $0x60, s9, s19, $0xb8;
	[tilespmem:$0x1EDF8] =	vst v63  }
0x40: {  	s7 =	simm.s32 $0x4F80  }
0x41: {  	[spmem:s3] =	stream.indirect.scatter.add.f32 [tilespmem:s22], [sflag:$0x4], $0x60, s7, s19, $0xb8;
	[tilespmem:$0x1EDF8] =	vst v63  }
0x42: {  	_ =	swait.ge [sflag:s25], $0x3000  }
0x43: {  	[sflag:s25] =	ssyncset.done $0x0  }
0x44: {  	[sflag:s25] =	ssyncadd.s32 $0xFFFFD000  }
0x45: {  	[spmem:s2] =	stream.indirect.scatter.add.f32 @!p1 [tilespmem:s5], [sflag:$0x3], $0x1, s7, s1, $0xb8;
	[tilespmem:$0x1EDF8] =	vst v63  }
0x46: {  	_ =	swait.ge @!p1 [sflag:s6], $0x80  }
0x47: {  	s7 =	simm.s32 $0x400;
	[sflag:s6] =	ssyncset.done @!p1 $0x0  }
.LBB2_2:
0x48: {  	[sflag:s6] =	ssyncadd.s32 @!p1 $0xFFFFFF80;
	s8 =	smov.u32 s7;
	s7 =	sadd.s32 $0x400, s7  }
0x49: {  	_ =	swait.ge [sflag:s21], $0x3000;
	p2 =	sne.s32 s7, $0x13800  }
0x4a: {  	s8 =	sshra.s32 s8, $0x2;
	[sflag:s21] =	ssyncset.done $0x0  }
0x4b: {  	s9 =	sadd.s32 $0x80, s8;
	[sflag:s21] =	ssyncadd.s32 $0xFFFFD000  }
0x4c: {  	[tilespmem:s22], [sflag:$0x2] =	stream.indirect.gather [hbm4b:s10+s19], $0x60, s9, s19, $0xb8;
	[tilespmem:$0x1EDF8] =	vst v63  }
0x4d: {  	s9 =	sadd.s32 $0x4F00, s8  }
0x4e: {  	[spmem:s3] =	stream.indirect.scatter.add.f32 [tilespmem:s20], [sflag:$0x4], $0x60, s9, s19, $0xb8;
	[tilespmem:$0x1EDF8] =	vst v63  }
0x4f: {  	_ =	swait.ge [sflag:s25], $0x3000  }
0x50: {  	[sflag:s25] =	ssyncset.done $0x0  }
0x51: {  	[sflag:s25] =	ssyncadd.s32 $0xFFFFD000  }
0x52: {  	[spmem:s2] =	stream.indirect.scatter.add.f32 @!p1 [tilespmem:s5], [sflag:$0x4], $0x1, s9, s1, $0xb8;
	[tilespmem:$0x1EDF8] =	vst v63  }
0x53: {  	_ =	swait.ge @!p1 [sflag:s30], $0x80  }
0x54: {  	[sflag:s30] =	ssyncset.done @!p1 $0x0  }
0x55: {  	[sflag:s30] =	ssyncadd.s32 @!p1 $0xFFFFFF80  }
0x56: {  	_ =	swait.ge [sflag:s26], $0x3000  }
0x57: {  	[sflag:s26] =	ssyncset.done $0x0  }
0x58: {  	s9 =	sadd.s32 $0x100, s8;
	[sflag:s26] =	ssyncadd.s32 $0xFFFFD000  }
0x59: {  	[tilespmem:s20], [sflag:$0x1] =	stream.indirect.gather [hbm4b:s10+s19], $0x60, s9, s19, $0xb8;
	[tilespmem:$0x1EDF8] =	vst v63  }
0x5a: {  	s8 =	sadd.s32 $0x4F80, s8  }
0x5b: {  	[spmem:s3] =	stream.indirect.scatter.add.f32 [tilespmem:s22], [sflag:$0x4], $0x60, s8, s19, $0xb8;
	[tilespmem:$0x1EDF8] =	vst v63  }
0x5c: {  	_ =	swait.ge [sflag:s25], $0x3000  }
.Ltmp0:
0x5d: {  	[sflag:s25] =	ssyncset.done $0x0;
	(pc) =	sbr.rel @p2 .LBB2_2-.Ltmp0, $4  }
0x5e: {  	[sflag:s25] =	ssyncadd.s32 $0xFFFFD000  }
0x5f: {  	[spmem:s2] =	stream.indirect.scatter.add.f32 @!p1 [tilespmem:s5], [sflag:$0x3], $0x1, s8, s1, $0xb8;
	[tilespmem:$0x1EDF8] =	vst v63  }
0x60: {  	_ =	swait.ge @!p1 [sflag:s6], $0x80  }
0x61: {  	[sflag:s6] =	ssyncset.done @!p1 $0x0  }
0x62: {  	[sflag:s6] =	ssyncadd.s32 @!p1 $0xFFFFFF80  }
0x63: {  	_ =	swait.ge [sflag:s21], $0x3000  }
0x64: {  	[sflag:s21] =	ssyncset.done $0x0  }
0x65: {  	[sflag:s21] =	ssyncadd.s32 $0xFFFFD000  }
0x66: {  	[tilespmem:s22], [sflag:$0x2] =	stream.indirect.gather [hbm4b:s10+s19], $0x60, s28, s19, $0xb8;
	[tilespmem:$0x1EDF8] =	vst v63  }
0x67: {  	_ = 	snop  }
0x68: {  	[spmem:s3] =	stream.indirect.scatter.add.f32 [tilespmem:s20], [sflag:$0x4], $0x60, s29, s19, $0xb8;
	[tilespmem:$0x1EDF8] =	vst v63  }
0x69: {  	_ =	swait.ge [sflag:s25], $0x3000  }
0x6a: {  	[sflag:s25] =	ssyncset.done $0x0  }
0x6b: {  	s5 =	simm.s32 @p1 $0x2;
	[sflag:s25] =	ssyncadd.s32 $0xFFFFD000  }
0x6c: {  	_ =	swait.ge @p1 [sflag:s5], $0x3000  }
0x6d: {  	s6 =	simm.s32 @p1 $0x9D80;
	[sflag:s5] =	ssyncset.done @p1 $0x0  }
0x6e: {  	s7 =	simm.s32 @p1 $0xCE00;
	[sflag:s5] =	ssyncadd.s32 @p1 $0xFFFFD000;
	s5 =	simm.s32 @p1 $0x80  }
0x6f: {  	[spmem:s3] =	stream.indirect.scatter.add.f32 @p1 [tilespmem:s7], [sflag:$0x4], $0x60, s6, s5, $0xb8;
	[tilespmem:$0x1EDF8] =	vst v63  }
0x70: {  	s5 =	simm.s32 @p1 $0x4  }
0x71: {  	_ =	swait.ge @p1 [sflag:s5], $0x3000  }
0x72: {  	[sflag:s5] =	ssyncset.done @p1 $0x0  }
0x73: {  	s6 =	simm.s32 @!p1 $0x1EB00;
	[sflag:s5] =	ssyncadd.s32 @p1 $0xFFFFD000;
	s5 =	simm.s32 @!p1 $0x9D00  }
0x74: {  	[spmem:s2] =	stream.indirect.scatter.add.f32 @!p1 [tilespmem:s6], [sflag:$0x4], $0x1, s5, s1, $0xb8;
	[tilespmem:$0x1EDF8] =	vst v63  }
0x75: {  	_ =	swait.ge @!p1 [sflag:s30], $0x80  }
0x76: {  	[sflag:s30] =	ssyncset.done @!p1 $0x0  }
0x77: {  	s5 =	simm.s32 @!p1 $0x2;
	[sflag:s30] =	ssyncadd.s32 @!p1 $0xFFFFFF80  }
0x78: {  	_ =	swait.ge @!p1 [sflag:s5], $0x3000  }
0x79: {  	[sflag:s5] =	ssyncset.done @!p1 $0x0  }
0x7a: {  	s7 =	simm.s32 @!p1 $0xCE00;
	[sflag:s5] =	ssyncadd.s32 @!p1 $0xFFFFD000;
	s5 =	simm.s32 @!p1 $0x9D80  }
0x7b: {  	[spmem:s3] =	stream.indirect.scatter.add.f32 @!p1 [tilespmem:s7], [sflag:$0x4], $0x60, s5, s1, $0xb8;
	[tilespmem:$0x1EDF8] =	vst v63  }
0x7c: {  	_ =	swait.ge @!p1 [sflag:s30], $0x3000  }
0x7d: {  	[sflag:s30] =	ssyncset.done @!p1 $0x0  }
0x7e: {  	[sflag:s30] =	ssyncadd.s32 @!p1 $0xFFFFD000  }
0x7f: {  	[spmem:s2] =	stream.indirect.scatter.add.f32 @!p1 [tilespmem:s6], [sflag:$0x3], $0x1, s5, s1, $0xb8;
	[tilespmem:$0x1EDF8] =	vst v63  }
0x80: {  	s1 =	simm.s32 @!p1 $0x3  }
0x81: {  	_ =	swait.ge @!p1 [sflag:s1], $0x80  }
0x82: {  	[sflag:s1] =	ssyncset.done @!p1 $0x0  }
0x83: {  	[sflag:s1] =	ssyncadd.s32 @!p1 $0xFFFFFF80  }
0x84: {  	[bflag:$0x0] =	sbarrier.arrive $0xFFFF  }
0x85: {  	[hbm:s23], [sflag:s0] =	dma.local [spmem:s16], $0x1DA0  }
0x86: {  	_ =	swait.ge [sflag:s15], $0x1DA0  }
0x87: {  	[sflag:s15] =	ssyncset.done $0x0  }
0x88: {  	s1 =	rddreg [dreg:$0x6];
	[sflag:s15] =	ssyncadd.s32 $0xFFFFE260  }
0x89: {  	[hbm:s1], [sflag:s0] =	dma.local @!p0 [spmem:s18], $0x4F0  }
0x8a: {  	s1 =	simm.s32 @!p0 $0x3  }
0x8b: {  	_ =	swait.ge @!p0 [sflag:s1], $0x4F0  }
0x8c: {  	[sflag:s1] =	ssyncset.done @!p0 $0x0  }
0x8d: {  	s6 =	simm.s32 $0x0;
	[sflag:s1] =	ssyncadd.s32 @!p0 $0xFFFFFB10  }
0x8e: {  	[tilespmem:s20], [sflag:$0x1] =	stream.indirect.gather [hbm4b:s13+s19], $0x60, s6, s19, $0xb8;
	[tilespmem:$0x1EDF8] =	vst v63  }
0x8f: {  	[spmem:s16], [sflag:s0] =	dma.local [hbm:s12], $0x1DA0  }
0x90: {  	_ =	swait.ge [sflag:s15], $0x1DA0  }
0x91: {  	[sflag:s15] =	ssyncset.done $0x0  }
0x92: {  	[sflag:s15] =	ssyncadd.s32 $0xFFFFE260  }
0x93: {  	[bflag:$0x0] =	sbarrier.arrive $0xFFFF  }
0x94: {  	_ =	swait.ge [sflag:s21], $0x3000  }
0x95: {  	[sflag:s21] =	ssyncset.done $0x0  }
0x96: {  	s7 =	simm.s32 $0x80;
	[sflag:s21] =	ssyncadd.s32 $0xFFFFD000  }
0x97: {  	[tilespmem:s22], [sflag:$0x2] =	stream.indirect.gather [hbm4b:s13+s19], $0x60, s7, s19, $0xb8;
	[tilespmem:$0x1EDF8] =	vst v63  }
0x98: {  	s8 =	simm.s32 $0x4F00  }
0x99: {  	[spmem:s3] =	stream.indirect.scatter.add.f32 [tilespmem:s20], [sflag:$0x3], $0x60, s8, s19, $0xb8;
	[tilespmem:$0x1EDF8] =	vst v63  }
0x9a: {  	_ =	swait.ge [sflag:s15], $0x3000  }
0x9b: {  	[sflag:s15] =	ssyncset.done $0x0  }
0x9c: {  	[sflag:s15] =	ssyncadd.s32 $0xFFFFD000  }
0x9d: {  	_ =	swait.ge [sflag:s26], $0x3000  }
0x9e: {  	[sflag:s26] =	ssyncset.done $0x0  }
0x9f: {  	s9 =	simm.s32 $0x100;
	[sflag:s26] =	ssyncadd.s32 $0xFFFFD000  }
0xa0: {  	[tilespmem:s20], [sflag:$0x1] =	stream.indirect.gather [hbm4b:s13+s19], $0x60, s9, s19, $0xb8;
	[tilespmem:$0x1EDF8] =	vst v63  }
0xa1: {  	s30 =	simm.s32 $0x4F80  }
0xa2: {  	[spmem:s3] =	stream.indirect.scatter.add.f32 [tilespmem:s22], [sflag:$0x3], $0x60, s30, s19, $0xb8;
	[tilespmem:$0x1EDF8] =	vst v63  }
0xa3: {  	_ =	swait.ge [sflag:s15], $0x3000  }
0xa4: {  	s1 =	simm.s32 $0x400;
	[sflag:s15] =	ssyncset.done $0x0  }
.LBB2_4:
0xa5: {  	p2 =	sne.s32 s1, $0x13400  }
0xa6: {  	[sflag:s15] =	ssyncadd.s32 $0xFFFFD000;
	s5 =	smov.u32 s1;
	s1 =	sadd.s32 $0x400, s1  }
0xa7: {  	_ = 	snop  }
0xa8: {  	_ =	swait.ge [sflag:s21], $0x3000  }
0xa9: {  	s5 =	sshra.s32 s5, $0x2;
	[sflag:s21] =	ssyncset.done $0x0  }
0xaa: {  	s6 =	sadd.s32 $0x80, s5;
	[sflag:s21] =	ssyncadd.s32 $0xFFFFD000  }
0xab: {  	[tilespmem:s22], [sflag:$0x2] =	stream.indirect.gather [hbm4b:s13+s19], $0x60, s6, s19, $0xb8;
	[tilespmem:$0x1EDF8] =	vst v63  }
0xac: {  	s6 =	sadd.s32 $0x4F00, s5  }
0xad: {  	[spmem:s3] =	stream.indirect.scatter.add.f32 [tilespmem:s20], [sflag:$0x3], $0x60, s6, s19, $0xb8;
	[tilespmem:$0x1EDF8] =	vst v63  }
0xae: {  	_ =	swait.ge [sflag:s15], $0x3000  }
0xaf: {  	[sflag:s15] =	ssyncset.done $0x0  }
0xb0: {  	[sflag:s15] =	ssyncadd.s32 $0xFFFFD000  }
0xb1: {  	_ =	swait.ge [sflag:s26], $0x3000  }
0xb2: {  	[sflag:s26] =	ssyncset.done $0x0  }
0xb3: {  	s6 =	sadd.s32 $0x100, s5;
	[sflag:s26] =	ssyncadd.s32 $0xFFFFD000  }
0xb4: {  	[tilespmem:s20], [sflag:$0x1] =	stream.indirect.gather [hbm4b:s13+s19], $0x60, s6, s19, $0xb8;
	[tilespmem:$0x1EDF8] =	vst v63  }
.Ltmp1:
0xb5: {  	_ = 	snop;
	(pc) =	sbr.rel @p2 .LBB2_4-.Ltmp1, $4  }
0xb6: {  	s5 =	sadd.s32 $0x4F80, s5  }
0xb7: {  	[spmem:s3] =	stream.indirect.scatter.add.f32 [tilespmem:s22], [sflag:$0x3], $0x60, s5, s19, $0xb8;
	[tilespmem:$0x1EDF8] =	vst v63  }
0xb8: {  	_ =	swait.ge [sflag:s15], $0x3000  }
0xb9: {  	[sflag:s15] =	ssyncset.done $0x0  }
0xba: {  	[sflag:s15] =	ssyncadd.s32 $0xFFFFD000  }
0xbb: {  	_ =	swait.ge [sflag:s21], $0x3000  }
0xbc: {  	[sflag:s21] =	ssyncset.done $0x0  }
0xbd: {  	[sflag:s21] =	ssyncadd.s32 $0xFFFFD000  }
0xbe: {  	[tilespmem:s22], [sflag:$0x2] =	stream.indirect.gather [hbm4b:s13+s19], $0x60, s28, s19, $0xb8;
	[tilespmem:$0x1EDF8] =	vst v63  }
0xbf: {  	_ = 	snop  }
0xc0: {  	[spmem:s3] =	stream.indirect.scatter.add.f32 [tilespmem:s20], [sflag:$0x3], $0x60, s29, s19, $0xb8;
	[tilespmem:$0x1EDF8] =	vst v63  }
0xc1: {  	_ =	swait.ge [sflag:s15], $0x3000  }
0xc2: {  	[sflag:s15] =	ssyncset.done $0x0  }
0xc3: {  	[sflag:s15] =	ssyncadd.s32 $0xFFFFD000  }
0xc4: {  	_ =	swait.ge [sflag:s26], $0x3000  }
0xc5: {  	[sflag:s26] =	ssyncset.done $0x0  }
0xc6: {  	s1 =	simm.s32 $0x9D80;
	[sflag:s26] =	ssyncadd.s32 $0xFFFFD000  }
0xc7: {  	[spmem:s3] =	stream.indirect.scatter.add.f32 [tilespmem:s22], [sflag:$0x3], $0x60, s1, s19, $0xb8;
	[tilespmem:$0x1EDF8] =	vst v63  }
0xc8: {  	_ =	swait.ge [sflag:s15], $0x3000  }
0xc9: {  	s31 =	sadd.s32 $0x1, s31;
	[sflag:s15] =	ssyncset.done $0x0  }
0xca: {  	p2 =	sne.s32 s31, s14;
	[sflag:s15] =	ssyncadd.s32 $0xFFFFD000  }
.Ltmp2:
0xcb: {  	[bflag:$0x0] =	sbarrier.arrive $0xFFFF;
	(pc) =	sbr.rel @p2 .LBB2_1-.Ltmp2, $4  }
0xcc: {  	[hbm:s24], [sflag:s0] =	dma.local [spmem:s16], $0x1DA0  }
0xcd: {  	_ =	swait.ge [sflag:s15], $0x1DA0  }
0xce: {  	[sflag:s15] =	ssyncset.done $0x0  }
0xcf: {  	[sflag:s15] =	ssyncadd.s32 $0xFFFFE260  }
0xd0: {  	_ =	sfence.sel $0x180000  }
0xd1: {  	[bflag:$0x0] =	sbarrier.arrive $0xFFFF  }
0xd2: {  	_ =	strace $0x90000047  }
0xd3: {  	s0 =	stileid.u32;
	[bflag:$0x2] =	sbarrier.arrive $0xFFFF  }
0xd4: {  	p0 =	sne.s32 s0, $0x0;
	s0 =	rddreg [dreg:$0x3]  }
0xd5: {  	s0 =	sadd.s32 @!p0 $0x100000, s0  }
0xd6: {  	[sflag:s0] =	ssyncadd.tile.s32 @!p0 $0x1;
	_ =	shalt  }
.Lfunc_end2:
_tile_overlayer_lowered:
.L_overlay_start_2:
0xd7: {  	(tag) =	ssettag $0x2  }
0xd8: {  	s0 =	rddreg [dreg:$0x0];
	s2 =	stileid.u32  }
0xd9: {  	s1 =	rddreg [dreg:$0x1];
	p0 =	sne.s32 s2, $0x0  }
0xda: {  	s3 =	rddreg [dreg:$0x2];
	[bflag:$0x3] =	sbarrier.arrive $0xFFFF;
	s2 =	simm.s32 @!p0 $0x1C03  }
0xdb: {  	[timem:s3], [sflag:s2] =	dma.local @!p0 [hbm:s0], s1  }
0xdc: {  	s0 =	simm.s32 @!p0 $0x3  }
0xdd: {  	_ =	swait.ge @!p0 [sflag:s0], s1  }
0xde: {  	s1 =	ssub.s32 @!p0 $0x0, s1;
	[sflag:s0] =	ssyncset.done @!p0 $0x0  }
0xdf: {  	[sflag:s0] =	ssyncadd.s32 @!p0 s1  }
0xe0: {  	[bflag:$0x3] =	sbarrier.arrive $0xFFFF  }
0xe1: {  	_ =	shalt  }

</sc_bundles>
